<compile_context>
chip_gen: v7x
topology: tpu7x:2x2x1
jax: 0.10.2.dev20260603
libtpu: 0.0.44.dev20260713+nightly
codegen_flags: <defaults>
</compile_context>

<pallas_src>
import functools

import jax
import jax.numpy as jnp
from jax import lax
from jax.experimental import pallas as pl
from jax.experimental.pallas import tpu as pltpu
from jax.experimental.pallas import tpu_sc as plsc

_N = 10000
_E = 320000
_D = 128
_G = 64

_NC = 2
_NS = 16
_NW = _NC * _NS
_EPW = _E // _NW
_CH = 96
_NCHUNK = 105
_EPW2 = _NCHUNK * _CH
_NACC = _N + 8
_RPT = 624
_REM = _N - _NS * _RPT


def _make_agg_kernel():
    mesh = plsc.VectorSubcoreMesh(core_axis_name="c", subcore_axis_name="s")

    @functools.partial(
        pl.kernel,
        mesh=mesh,
        out_type=jax.ShapeDtypeStruct((_NC * _N, _D), jnp.float32),
        scratch_types=[
            pltpu.VMEM((_CH,), jnp.int32),
            pltpu.VMEM((_CH,), jnp.int32),
            pltpu.VMEM((_CH, _D), jnp.float32),
            pltpu.VMEM_SHARED((_NACC, _D), jnp.float32),
            pltpu.SemaphoreType.DMA,
        ],
    )
    def agg(h_hbm, src_hbm, dst_hbm, zeros_hbm, out_hbm,
            idx_s, idx_d, rows, accum, sem):
        c = lax.axis_index("c")
        s = lax.axis_index("s")
        pltpu.sync_copy(zeros_hbm.at[pl.ds(s * _RPT, _RPT)],
                        accum.at[pl.ds(s * _RPT, _RPT)])

        @pl.when(s == 0)
        def _():
            pltpu.sync_copy(zeros_hbm.at[pl.ds(_NS * _RPT, _REM)],
                            accum.at[pl.ds(_NS * _RPT, _REM)])

        plsc.subcore_barrier()

        base = (c * _NS + s) * _EPW2

        def body(i, carry):
            off = base + i * _CH
            pltpu.sync_copy(src_hbm.at[pl.ds(off, _CH)], idx_s)
            pltpu.sync_copy(dst_hbm.at[pl.ds(off, _CH)], idx_d)
            pltpu.async_copy(h_hbm.at[idx_s], rows, sem).wait()
            pltpu.sync_copy(rows, accum.at[idx_d], add=True)
            return carry

        lax.fori_loop(0, _NCHUNK, body, 0)
        plsc.subcore_barrier()
        pltpu.sync_copy(accum.at[pl.ds(s * _RPT, _RPT)],
                        out_hbm.at[pl.ds(c * _N + s * _RPT, _RPT)])

        @pl.when(s == 0)
        def _():
            pltpu.sync_copy(accum.at[pl.ds(_NS * _RPT, _REM)],
                            out_hbm.at[pl.ds(c * _N + _NS * _RPT, _REM)])

    return agg


def _mlp(h, parts, W1, b1, W2, b2, relu_out):
    BN = 2000
    nblk = _N // BN

    def body(h_ref, a0_ref, a1_ref, W1_ref, b1_ref, W2_ref, b2_ref, o_ref):
        t = h_ref[...] + a0_ref[...] + a1_ref[...]
        t = jnp.dot(t, W1_ref[...], preferred_element_type=jnp.float32,
                    precision=lax.Precision.HIGHEST) + b1_ref[...]
        t = jnp.maximum(t, 0.0)
        t = jnp.dot(t, W2_ref[...], preferred_element_type=jnp.float32,
                    precision=lax.Precision.HIGHEST) + b2_ref[...]
        if relu_out:
            t = jnp.maximum(t, 0.0)
        o_ref[...] = t

    return pl.pallas_call(
        body,
        grid=(nblk,),
        in_specs=[
            pl.BlockSpec((BN, _D), lambda i: (i, 0)),
            pl.BlockSpec((BN, _D), lambda i: (i, 0)),
            pl.BlockSpec((BN, _D), lambda i: (i + nblk, 0)),
            pl.BlockSpec((_D, _D), lambda i: (0, 0)),
            pl.BlockSpec((1, _D), lambda i: (0, 0)),
            pl.BlockSpec((_D, _D), lambda i: (0, 0)),
            pl.BlockSpec((1, _D), lambda i: (0, 0)),
        ],
        out_specs=pl.BlockSpec((BN, _D), lambda i: (i, 0)),
        out_shape=jax.ShapeDtypeStruct((_N, _D), jnp.float32),
    )(h, parts, parts, W1, b1.reshape(1, _D), W2, b2.reshape(1, _D))


def _mlp_pool(h, parts, W1, b1, W2, b2, batch_col, lin_W, lin_b):
    BN = 2000
    nblk = _N // BN

    def body(h_ref, a0_ref, a1_ref, W1_ref, b1_ref, W2_ref, b2_ref,
             bat_ref, lW_ref, lb_ref, o_ref, acc_ref, cnt_ref):
        i = pl.program_id(0)
        t = h_ref[...] + a0_ref[...] + a1_ref[...]
        t = jnp.dot(t, W1_ref[...], preferred_element_type=jnp.float32,
                    precision=lax.Precision.HIGHEST) + b1_ref[...]
        t = jnp.maximum(t, 0.0)
        t = jnp.dot(t, W2_ref[...], preferred_element_type=jnp.float32,
                    precision=lax.Precision.HIGHEST) + b2_ref[...]
        gids = lax.broadcasted_iota(jnp.int32, (BN, _G), 1)
        mask = (bat_ref[...] == gids).astype(jnp.float32)
        psum = lax.dot_general(mask, t, (((0,), (0,)), ((), ())),
                               preferred_element_type=jnp.float32,
                               precision=lax.Precision.HIGHEST)
        cnt = jnp.broadcast_to(jnp.sum(mask, axis=0).reshape(_G, 1), (_G, _D))

        @pl.when(i == 0)
        def _():
            acc_ref[...] = psum
            cnt_ref[...] = cnt

        @pl.when(i > 0)
        def _():
            acc_ref[...] += psum
            cnt_ref[...] += cnt

        @pl.when(i == nblk - 1)
        def _():
            pooled = acc_ref[...] / jnp.maximum(cnt_ref[...], 1.0)
            o_ref[...] = jnp.dot(pooled, lW_ref[...],
                                 preferred_element_type=jnp.float32,
                                 precision=lax.Precision.HIGHEST) + lb_ref[...]

    return pl.pallas_call(
        body,
        grid=(nblk,),
        in_specs=[
            pl.BlockSpec((BN, _D), lambda i: (i, 0)),
            pl.BlockSpec((BN, _D), lambda i: (i, 0)),
            pl.BlockSpec((BN, _D), lambda i: (i + nblk, 0)),
            pl.BlockSpec((_D, _D), lambda i: (0, 0)),
            pl.BlockSpec((1, _D), lambda i: (0, 0)),
            pl.BlockSpec((_D, _D), lambda i: (0, 0)),
            pl.BlockSpec((1, _D), lambda i: (0, 0)),
            pl.BlockSpec((BN, 1), lambda i: (i, 0)),
            pl.BlockSpec((_D, _D), lambda i: (0, 0)),
            pl.BlockSpec((1, _D), lambda i: (0, 0)),
        ],
        out_specs=pl.BlockSpec((_G, _D), lambda i: (0, 0)),
        out_shape=jax.ShapeDtypeStruct((_G, _D), jnp.float32),
        scratch_shapes=[pltpu.VMEM((_G, _D), jnp.float32),
                        pltpu.VMEM((_G, _D), jnp.float32)],
    )(h, parts, parts, W1, b1.reshape(1, _D), W2, b2.reshape(1, _D),
      batch_col, lin_W, lin_b.reshape(1, _D))


def kernel(x, edge_index, batch, gin0_W1, gin0_b1, gin0_W2, gin0_b2,
           gin1_W1, gin1_b1, gin1_W2, gin1_b2,
           gin2_W1, gin2_b1, gin2_W2, gin2_b2, lin_W, lin_b):
    pad = _EPW2 - _EPW
    src = jnp.concatenate(
        [edge_index[0].reshape(_NW, _EPW),
         jnp.zeros((_NW, pad), jnp.int32)], axis=1).reshape(-1)
    dst = jnp.concatenate(
        [edge_index[1].reshape(_NW, _EPW),
         jnp.full((_NW, pad), _N, jnp.int32)], axis=1).reshape(-1)
    zeros = jnp.zeros((_N, _D), jnp.float32)
    aggk = _make_agg_kernel()

    def layer(h, W1, b1, W2, b2, relu_out):
        parts = aggk(h, src, dst, zeros)
        return _mlp(h, parts, W1, b1, W2, b2, relu_out)

    h = layer(x, gin0_W1, gin0_b1, gin0_W2, gin0_b2, True)
    h = layer(h, gin1_W1, gin1_b1, gin1_W2, gin1_b2, True)
    parts = aggk(h, src, dst, zeros)
    return _mlp_pool(h, parts, gin2_W1, gin2_b1, gin2_W2, gin2_b2,
                     batch.reshape(_N, 1), lin_W, lin_b)

# --- scband reference (transcript-rebuilt; emitter-appended) ---
"""Pipeline reference for scband-gcn-58514634441241 (READ-ONLY COPY).

The authoritative reference and input builder live on the scoring server;
editing this copy changes nothing except your own understanding.
"""

import jax, jax.numpy as jnp
import numpy as np

N = 10000
E = 320000
D_IN = 128
D_H = 128
D_OUT = 128
G = 64


def setup_inputs(seed: int = 0) -> dict:
    key = jax.random.key(seed)
    ks = jax.random.split(key, 20)
    x = jax.random.normal(ks[0], (N, D_IN), dtype=jnp.float32)
    edge_index = jax.random.randint(ks[1], (2, E), 0, N, dtype=jnp.int32)
    batch = jnp.sort(jax.random.randint(ks[2], (N,), 0, G, dtype=jnp.int32))
    s = 0.05
    inp = {"x": x, "edge_index": edge_index, "batch": batch}
    # GIN layer 0: MLP(input_channels, hidden_channels)
    inp["gin0_W1"] = jax.random.normal(ks[3], (D_IN, D_H), dtype=jnp.float32) * s
    inp["gin0_b1"] = jnp.zeros((D_H,), dtype=jnp.float32)
    inp["gin0_W2"] = jax.random.normal(ks[4], (D_H, D_H), dtype=jnp.float32) * s
    inp["gin0_b2"] = jnp.zeros((D_H,), dtype=jnp.float32)
    # GIN layer 1
    inp["gin1_W1"] = jax.random.normal(ks[5], (D_H, D_H), dtype=jnp.float32) * s
    inp["gin1_b1"] = jnp.zeros((D_H,), dtype=jnp.float32)
    inp["gin1_W2"] = jax.random.normal(ks[6], (D_H, D_H), dtype=jnp.float32) * s
    inp["gin1_b2"] = jnp.zeros((D_H,), dtype=jnp.float32)
    # GIN layer 2
    inp["gin2_W1"] = jax.random.normal(ks[7], (D_H, D_H), dtype=jnp.float32) * s
    inp["gin2_b1"] = jnp.zeros((D_H,), dtype=jnp.float32)
    inp["gin2_W2"] = jax.random.normal(ks[8], (D_H, D_H), dtype=jnp.float32) * s
    inp["gin2_b2"] = jnp.zeros((D_H,), dtype=jnp.float32)
    # final Linear(hidden_channels, output_channels)
    inp["lin_W"] = jax.random.normal(ks[9], (D_H, D_OUT), dtype=jnp.float32) * s
    inp["lin_b"] = jnp.zeros((D_OUT,), dtype=jnp.float32)
    return inp


def _gin_layer(x, edge_index, W1, b1, W2, b2):
    # GINConv with eps=0: MLP(x + sum_{j in N(i)} x_j)
    msgs = x[edge_index[0]]
    agg = jax.ops.segment_sum(msgs, edge_index[1], num_segments=x.shape[0])
    h = x + agg
    h = jax.nn.relu(h @ W1 + b1)
    return h @ W2 + b2


def reference(x, edge_index, batch, gin0_W1, gin0_b1, gin0_W2, gin0_b2,
              gin1_W1, gin1_b1, gin1_W2, gin1_b2,
              gin2_W1, gin2_b1, gin2_W2, gin2_b2, lin_W, lin_b):
    h = _gin_layer(x, edge_index, gin0_W1, gin0_b1, gin0_W2, gin0_b2)
    h = jax.nn.relu(h)
    h = jax.nn.relu(_gin_layer(h, edge_index, gin1_W1, gin1_b1, gin1_W2, gin1_b2))
    h = jax.nn.relu(h)
    h = _gin_layer(h, edge_index, gin2_W1, gin2_b1, gin2_W2, gin2_b2)
    # global_mean_pool over batch vector
    pooled_sum = jax.ops.segment_sum(h, batch, num_segments=G)
    counts = jax.ops.segment_sum(jnp.ones((h.shape[0], 1), h.dtype), batch, num_segments=G)
    pooled = pooled_sum / jnp.maximum(counts, 1.0)
    # dropout is identity in eval mode
    return pooled @ lin_W + lin_b


if False:  # reference __main__ guard neutralized (emitter)
    out = reference(**setup_inputs())
    print(out.shape)

if __name__ == "__main__":
    import jax
    _d = setup_inputs()
    print(jax.jit(kernel)(*tuple(_d.values())))

</pallas_src>

<mosaic_0001>
#map = affine_map<(d0, d1) -> (0, 0)>
#map1 = affine_map<(d0, d1) -> (0)>
module attributes {stable_mosaic.version = 14 : i64} {
  func.func @agg(%arg0: i32, %arg1: i32, %arg2: memref<10000x128xf32, #tpu.memory_space<hbm>>, %arg3: memref<322560xi32, #tpu.memory_space<hbm>>, %arg4: memref<322560xi32, #tpu.memory_space<hbm>>, %arg5: memref<10000x128xf32, #tpu.memory_space<hbm>>, %arg6: memref<20000x128xf32, #tpu.memory_space<hbm>>, %arg7: memref<96xi32, #tpu.memory_space<vmem>>, %arg8: memref<96xi32, #tpu.memory_space<vmem>>, %arg9: memref<96x128xf32, #tpu.memory_space<vmem>>, %arg10: memref<10008x128xf32, #tpu.memory_space<vmem_shared>>, %arg11: memref<!tpu.dma_semaphore, #tpu.memory_space<semaphore_mem>>) attributes {dimension_semantics = [#tpu.dimension_semantics<core_parallel>, #tpu.dimension_semantics<subcore_parallel>], iteration_bounds = array<i64: 2, 16>, scalar_prefetch = 0 : i64, scratch_operands = 5 : i64, tpu.core_type = #tpu.core_type<sc_vector_subcore>, window_params = [{transform_indices = #map}, {transform_indices = #map1}, {transform_indices = #map1}, {transform_indices = #map}, {transform_indices = #map}]} {
    %mul3A = arith.constant 624 : i32
    %mul3A_0 = arith.muli %arg1, %mul3A : i32
    %mul3A_1 = arith.constant 624 : i32
    %mul3A_2 = arith.muli %arg1, %mul3A_1 : i32
    "tpu.region"() ({
      %run_scoped3A = tpu.sem_alloc : memref<!tpu.dma_semaphore, #tpu.memory_space<semaphore_mem>>
      %dma_start3A = arith.constant 0 : i32
      %dma_start3A_27 = tpu.memref_slice %arg10[%mul3A_2, %dma_start3A] : memref<10008x128xf32, #tpu.memory_space<vmem_shared>> -> memref<624x128xf32, #tpu.memory_space<vmem_shared>>
      %dma_start3A_28 = arith.constant 0 : i32
      %dma_start3A_29 = tpu.memref_slice %arg5[%mul3A_0, %dma_start3A_28] : memref<10000x128xf32, #tpu.memory_space<hbm>> -> memref<624x128xf32, #tpu.memory_space<hbm>>
      tpu.enqueue_dma source(%dma_start3A_29 : memref<624x128xf32, #tpu.memory_space<hbm>>) target(%dma_start3A_27 : memref<624x128xf32, #tpu.memory_space<vmem_shared>>) target_semaphore(%run_scoped3A : memref<!tpu.dma_semaphore, #tpu.memory_space<semaphore_mem>>)
      %dma_wait3A = arith.constant 0 : i32
      %dma_wait3A_30 = tpu.memref_slice %arg10[%mul3A_2, %dma_wait3A] : memref<10008x128xf32, #tpu.memory_space<vmem_shared>> -> memref<624x128xf32, #tpu.memory_space<vmem_shared>>
      %dma_wait3A_31 = arith.constant 0 : i32
      %dma_wait3A_32 = tpu.memref_slice %arg5[%mul3A_0, %dma_wait3A_31] : memref<10000x128xf32, #tpu.memory_space<hbm>> -> memref<624x128xf32, #tpu.memory_space<hbm>>
      tpu.wait_dma2 semaphore(%run_scoped3A : memref<!tpu.dma_semaphore, #tpu.memory_space<semaphore_mem>>) src(%dma_wait3A_32 : memref<624x128xf32, #tpu.memory_space<hbm>>) dst(%dma_wait3A_30 : memref<624x128xf32, #tpu.memory_space<vmem_shared>>)
      tpu.yield
    }) : () -> ()
    %eq3A = arith.constant 0 : i32
    %eq3A_3 = arith.cmpi eq, %arg1, %eq3A : i32
    %convert_element_type3A = arith.extui %eq3A_3 : i1 to i32
    %cond3A = arith.constant 0 : i32
    %cond3A_4 = arith.cmpi ne, %convert_element_type3A, %cond3A : i32
    scf.if %cond3A_4 {
      "tpu.region"() ({
        %run_scoped3A = tpu.sem_alloc : memref<!tpu.dma_semaphore, #tpu.memory_space<semaphore_mem>>
        %dma_start3A = arith.constant 9984 : i32
        %dma_start3A_27 = arith.constant 0 : i32
        %dma_start3A_28 = tpu.memref_slice %arg10[%dma_start3A, %dma_start3A_27] : memref<10008x128xf32, #tpu.memory_space<vmem_shared>> -> memref<16x128xf32, #tpu.memory_space<vmem_shared>>
        %dma_start3A_29 = arith.constant 9984 : i32
        %dma_start3A_30 = arith.constant 0 : i32
        %dma_start3A_31 = tpu.memref_slice %arg5[%dma_start3A_29, %dma_start3A_30] : memref<10000x128xf32, #tpu.memory_space<hbm>> -> memref<16x128xf32, #tpu.memory_space<hbm>>
        tpu.enqueue_dma source(%dma_start3A_31 : memref<16x128xf32, #tpu.memory_space<hbm>>) target(%dma_start3A_28 : memref<16x128xf32, #tpu.memory_space<vmem_shared>>) target_semaphore(%run_scoped3A : memref<!tpu.dma_semaphore, #tpu.memory_space<semaphore_mem>>)
        %dma_wait3A = arith.constant 9984 : i32
        %dma_wait3A_32 = arith.constant 0 : i32
        %dma_wait3A_33 = tpu.memref_slice %arg10[%dma_wait3A, %dma_wait3A_32] : memref<10008x128xf32, #tpu.memory_space<vmem_shared>> -> memref<16x128xf32, #tpu.memory_space<vmem_shared>>
        %dma_wait3A_34 = arith.constant 9984 : i32
        %dma_wait3A_35 = arith.constant 0 : i32
        %dma_wait3A_36 = tpu.memref_slice %arg5[%dma_wait3A_34, %dma_wait3A_35] : memref<10000x128xf32, #tpu.memory_space<hbm>> -> memref<16x128xf32, #tpu.memory_space<hbm>>
        tpu.wait_dma2 semaphore(%run_scoped3A : memref<!tpu.dma_semaphore, #tpu.memory_space<semaphore_mem>>) src(%dma_wait3A_36 : memref<16x128xf32, #tpu.memory_space<hbm>>) dst(%dma_wait3A_33 : memref<16x128xf32, #tpu.memory_space<vmem_shared>>)
        tpu.yield
      }) : () -> ()
    } else {
    }
    %barrier3A = arith.constant 0 : index
    tpu.barrier barrier_id(%barrier3A)
    %mul3A_5 = arith.constant 16 : i32
    %mul3A_6 = arith.muli %arg0, %mul3A_5 : i32
    %add3A = arith.addi %mul3A_6, %arg1 : i32
    %mul3A_7 = arith.constant 10080 : i32
    %mul3A_8 = arith.muli %add3A, %mul3A_7 : i32
    %scan3A = arith.constant 0 : i32
    %scan3A_9 = arith.constant 0 : i32
    %scan3A_10 = arith.constant 105 : i32
    %scan3A_11 = arith.addi %scan3A_9, %scan3A_10 : i32
    %scan3A_12 = arith.constant 1 : i32
    scf.for %scan3A_27 = %scan3A_9 to %scan3A_11 step %scan3A_12  : i32 {
      %mul3A_28 = arith.constant 96 : i32
      %mul3A_29 = arith.muli %scan3A_27, %mul3A_28 : i32
      %add3A_30 = arith.addi %mul3A_8, %mul3A_29 : i32
      "tpu.region"() ({
        %run_scoped3A = tpu.sem_alloc : memref<!tpu.dma_semaphore, #tpu.memory_space<semaphore_mem>>
        %dma_start3A_35 = tpu.memref_slice %arg3[%add3A_30] : memref<322560xi32, #tpu.memory_space<hbm>> -> memref<96xi32, #tpu.memory_space<hbm>>
        %dma_start3A_36 = tpu.memref_slice %arg3[%add3A_30] : memref<322560xi32, #tpu.memory_space<hbm>> -> memref<96xi32, #tpu.memory_space<hbm>>
        tpu.enqueue_dma source(%dma_start3A_36 : memref<96xi32, #tpu.memory_space<hbm>>) target(%arg7 : memref<96xi32, #tpu.memory_space<vmem>>) target_semaphore(%run_scoped3A : memref<!tpu.dma_semaphore, #tpu.memory_space<semaphore_mem>>)
        %dma_wait3A_37 = tpu.memref_slice %arg3[%add3A_30] : memref<322560xi32, #tpu.memory_space<hbm>> -> memref<96xi32, #tpu.memory_space<hbm>>
        %dma_wait3A_38 = tpu.memref_slice %arg3[%add3A_30] : memref<322560xi32, #tpu.memory_space<hbm>> -> memref<96xi32, #tpu.memory_space<hbm>>
        tpu.wait_dma2 semaphore(%run_scoped3A : memref<!tpu.dma_semaphore, #tpu.memory_space<semaphore_mem>>) src(%dma_wait3A_38 : memref<96xi32, #tpu.memory_space<hbm>>) dst(%arg7 : memref<96xi32, #tpu.memory_space<vmem>>)
        tpu.yield
      }) : () -> ()
      "tpu.region"() ({
        %run_scoped3A = tpu.sem_alloc : memref<!tpu.dma_semaphore, #tpu.memory_space<semaphore_mem>>
        %dma_start3A_35 = tpu.memref_slice %arg4[%add3A_30] : memref<322560xi32, #tpu.memory_space<hbm>> -> memref<96xi32, #tpu.memory_space<hbm>>
        %dma_start3A_36 = tpu.memref_slice %arg4[%add3A_30] : memref<322560xi32, #tpu.memory_space<hbm>> -> memref<96xi32, #tpu.memory_space<hbm>>
        tpu.enqueue_dma source(%dma_start3A_36 : memref<96xi32, #tpu.memory_space<hbm>>) target(%arg8 : memref<96xi32, #tpu.memory_space<vmem>>) target_semaphore(%run_scoped3A : memref<!tpu.dma_semaphore, #tpu.memory_space<semaphore_mem>>)
        %dma_wait3A_37 = tpu.memref_slice %arg4[%add3A_30] : memref<322560xi32, #tpu.memory_space<hbm>> -> memref<96xi32, #tpu.memory_space<hbm>>
        %dma_wait3A_38 = tpu.memref_slice %arg4[%add3A_30] : memref<322560xi32, #tpu.memory_space<hbm>> -> memref<96xi32, #tpu.memory_space<hbm>>
        tpu.wait_dma2 semaphore(%run_scoped3A : memref<!tpu.dma_semaphore, #tpu.memory_space<semaphore_mem>>) src(%dma_wait3A_38 : memref<96xi32, #tpu.memory_space<hbm>>) dst(%arg8 : memref<96xi32, #tpu.memory_space<vmem>>)
        tpu.yield
      }) : () -> ()
      %dma_start3A = arith.constant 0 : i32
      %dma_start3A_31 = arith.constant 0 : i32
      %dma_start3A_32 = tpu.memref_slice %arg2[%dma_start3A, %dma_start3A_31] : memref<10000x128xf32, #tpu.memory_space<hbm>> -> memref<10000x128xf32, #tpu.memory_space<hbm>>
      tpu.enqueue_indirect_dma source(%dma_start3A_32 : memref<10000x128xf32, #tpu.memory_space<hbm>>) target(%arg9 : memref<96x128xf32, #tpu.memory_space<vmem>>) offsets(%arg7 : memref<96xi32, #tpu.memory_space<vmem>>) semaphore(%arg11 : memref<!tpu.dma_semaphore, #tpu.memory_space<semaphore_mem>>)
      %dma_wait3A = arith.constant 0 : i32
      %dma_wait3A_33 = arith.constant 0 : i32
      %dma_wait3A_34 = tpu.memref_slice %arg2[%dma_wait3A, %dma_wait3A_33] : memref<10000x128xf32, #tpu.memory_space<hbm>> -> memref<10000x128xf32, #tpu.memory_space<hbm>>
      tpu.wait_indirect_dma semaphore(%arg11 : memref<!tpu.dma_semaphore, #tpu.memory_space<semaphore_mem>>) src(%dma_wait3A_34 : memref<10000x128xf32, #tpu.memory_space<hbm>>) dst(%arg9 : memref<96x128xf32, #tpu.memory_space<vmem>>)
      "tpu.region"() ({
        %run_scoped3A = tpu.sem_alloc : memref<!tpu.dma_semaphore, #tpu.memory_space<semaphore_mem>>
        %dma_start3A_35 = arith.constant 0 : i32
        %dma_start3A_36 = arith.constant 0 : i32
        %dma_start3A_37 = tpu.memref_slice %arg10[%dma_start3A_35, %dma_start3A_36] : memref<10008x128xf32, #tpu.memory_space<vmem_shared>> -> memref<10008x128xf32, #tpu.memory_space<vmem_shared>>
        tpu.enqueue_indirect_dma source(%arg9 : memref<96x128xf32, #tpu.memory_space<vmem>>) target(%dma_start3A_37 : memref<10008x128xf32, #tpu.memory_space<vmem_shared>>) offsets(%arg8 : memref<96xi32, #tpu.memory_space<vmem>>) semaphore(%run_scoped3A : memref<!tpu.dma_semaphore, #tpu.memory_space<semaphore_mem>>) {add = true}
        %dma_wait3A_38 = arith.constant 0 : i32
        %dma_wait3A_39 = arith.constant 0 : i32
        %dma_wait3A_40 = tpu.memref_slice %arg10[%dma_wait3A_38, %dma_wait3A_39] : memref<10008x128xf32, #tpu.memory_space<vmem_shared>> -> memref<10008x128xf32, #tpu.memory_space<vmem_shared>>
        tpu.wait_indirect_dma semaphore(%run_scoped3A : memref<!tpu.dma_semaphore, #tpu.memory_space<semaphore_mem>>) src(%arg9 : memref<96x128xf32, #tpu.memory_space<vmem>>) dst(%dma_wait3A_40 : memref<10008x128xf32, #tpu.memory_space<vmem_shared>>)
        tpu.yield
      }) : () -> ()
    }
    %scan3A_13 = arith.constant 105 : i32
    %barrier3A_14 = arith.constant 0 : index
    tpu.barrier barrier_id(%barrier3A_14)
    %mul3A_15 = arith.constant 624 : i32
    %mul3A_16 = arith.muli %arg1, %mul3A_15 : i32
    %mul3A_17 = arith.constant 10000 : i32
    %mul3A_18 = arith.muli %arg0, %mul3A_17 : i32
    %mul3A_19 = arith.constant 624 : i32
    %mul3A_20 = arith.muli %arg1, %mul3A_19 : i32
    %add3A_21 = arith.addi %mul3A_18, %mul3A_20 : i32
    "tpu.region"() ({
      %run_scoped3A = tpu.sem_alloc : memref<!tpu.dma_semaphore, #tpu.memory_space<semaphore_mem>>
      %dma_start3A = arith.constant 0 : i32
      %dma_start3A_27 = tpu.memref_slice %arg6[%add3A_21, %dma_start3A] : memref<20000x128xf32, #tpu.memory_space<hbm>> -> memref<624x128xf32, #tpu.memory_space<hbm>>
      %dma_start3A_28 = arith.constant 0 : i32
      %dma_start3A_29 = tpu.memref_slice %arg10[%mul3A_16, %dma_start3A_28] : memref<10008x128xf32, #tpu.memory_space<vmem_shared>> -> memref<624x128xf32, #tpu.memory_space<vmem_shared>>
      tpu.enqueue_dma source(%dma_start3A_29 : memref<624x128xf32, #tpu.memory_space<vmem_shared>>) target(%dma_start3A_27 : memref<624x128xf32, #tpu.memory_space<hbm>>) target_semaphore(%run_scoped3A : memref<!tpu.dma_semaphore, #tpu.memory_space<semaphore_mem>>)
      %dma_wait3A = arith.constant 0 : i32
      %dma_wait3A_30 = tpu.memref_slice %arg6[%add3A_21, %dma_wait3A] : memref<20000x128xf32, #tpu.memory_space<hbm>> -> memref<624x128xf32, #tpu.memory_space<hbm>>
      %dma_wait3A_31 = arith.constant 0 : i32
      %dma_wait3A_32 = tpu.memref_slice %arg10[%mul3A_16, %dma_wait3A_31] : memref<10008x128xf32, #tpu.memory_space<vmem_shared>> -> memref<624x128xf32, #tpu.memory_space<vmem_shared>>
      tpu.wait_dma2 semaphore(%run_scoped3A : memref<!tpu.dma_semaphore, #tpu.memory_space<semaphore_mem>>) src(%dma_wait3A_32 : memref<624x128xf32, #tpu.memory_space<vmem_shared>>) dst(%dma_wait3A_30 : memref<624x128xf32, #tpu.memory_space<hbm>>)
      tpu.yield
    }) : () -> ()
    %eq3A_22 = arith.constant 0 : i32
    %eq3A_23 = arith.cmpi eq, %arg1, %eq3A_22 : i32
    %convert_element_type3A_24 = arith.extui %eq3A_23 : i1 to i32
    %cond3A_25 = arith.constant 0 : i32
    %cond3A_26 = arith.cmpi ne, %convert_element_type3A_24, %cond3A_25 : i32
    scf.if %cond3A_26 {
      %mul3A_27 = arith.constant 10000 : i32
      %mul3A_28 = arith.muli %arg0, %mul3A_27 : i32
      %add3A_29 = arith.constant 9984 : i32
      %add3A_30 = arith.addi %mul3A_28, %add3A_29 : i32
      "tpu.region"() ({
        %run_scoped3A = tpu.sem_alloc : memref<!tpu.dma_semaphore, #tpu.memory_space<semaphore_mem>>
        %dma_start3A = arith.constant 0 : i32
        %dma_start3A_31 = tpu.memref_slice %arg6[%add3A_30, %dma_start3A] : memref<20000x128xf32, #tpu.memory_space<hbm>> -> memref<16x128xf32, #tpu.memory_space<hbm>>
        %dma_start3A_32 = arith.constant 9984 : i32
        %dma_start3A_33 = arith.constant 0 : i32
        %dma_start3A_34 = tpu.memref_slice %arg10[%dma_start3A_32, %dma_start3A_33] : memref<10008x128xf32, #tpu.memory_space<vmem_shared>> -> memref<16x128xf32, #tpu.memory_space<vmem_shared>>
        tpu.enqueue_dma source(%dma_start3A_34 : memref<16x128xf32, #tpu.memory_space<vmem_shared>>) target(%dma_start3A_31 : memref<16x128xf32, #tpu.memory_space<hbm>>) target_semaphore(%run_scoped3A : memref<!tpu.dma_semaphore, #tpu.memory_space<semaphore_mem>>)
        %dma_wait3A = arith.constant 0 : i32
        %dma_wait3A_35 = tpu.memref_slice %arg6[%add3A_30, %dma_wait3A] : memref<20000x128xf32, #tpu.memory_space<hbm>> -> memref<16x128xf32, #tpu.memory_space<hbm>>
        %dma_wait3A_36 = arith.constant 9984 : i32
        %dma_wait3A_37 = arith.constant 0 : i32
        %dma_wait3A_38 = tpu.memref_slice %arg10[%dma_wait3A_36, %dma_wait3A_37] : memref<10008x128xf32, #tpu.memory_space<vmem_shared>> -> memref<16x128xf32, #tpu.memory_space<vmem_shared>>
        tpu.wait_dma2 semaphore(%run_scoped3A : memref<!tpu.dma_semaphore, #tpu.memory_space<semaphore_mem>>) src(%dma_wait3A_38 : memref<16x128xf32, #tpu.memory_space<vmem_shared>>) dst(%dma_wait3A_35 : memref<16x128xf32, #tpu.memory_space<hbm>>)
        tpu.yield
      }) : () -> ()
    } else {
    }
    return
  }
}

#map = affine_map<(d0, d1) -> (0, 0)>
#map1 = affine_map<(d0, d1) -> (0)>
module attributes {stable_mosaic.version = 14 : i64} {
  func.func @agg(%arg0: i32, %arg1: i32, %arg2: memref<10000x128xf32, #tpu.memory_space<hbm>>, %arg3: memref<322560xi32, #tpu.memory_space<hbm>>, %arg4: memref<322560xi32, #tpu.memory_space<hbm>>, %arg5: memref<10000x128xf32, #tpu.memory_space<hbm>>, %arg6: memref<20000x128xf32, #tpu.memory_space<hbm>>, %arg7: memref<96xi32, #tpu.memory_space<vmem>>, %arg8: memref<96xi32, #tpu.memory_space<vmem>>, %arg9: memref<96x128xf32, #tpu.memory_space<vmem>>, %arg10: memref<10008x128xf32, #tpu.memory_space<vmem_shared>>, %arg11: memref<!tpu.dma_semaphore, #tpu.memory_space<semaphore_mem>>) attributes {dimension_semantics = [#tpu.dimension_semantics<core_parallel>, #tpu.dimension_semantics<subcore_parallel>], iteration_bounds = array<i64: 2, 16>, scalar_prefetch = 0 : i64, scratch_operands = 5 : i64, tpu.core_type = #tpu.core_type<sc_vector_subcore>, window_params = [{transform_indices = #map}, {transform_indices = #map1}, {transform_indices = #map1}, {transform_indices = #map}, {transform_indices = #map}]} {
    %mul3A = arith.constant 624 : i32
    %mul3A_0 = arith.muli %arg1, %mul3A : i32
    %mul3A_1 = arith.constant 624 : i32
    %mul3A_2 = arith.muli %arg1, %mul3A_1 : i32
    "tpu.region"() ({
      %run_scoped3A = tpu.sem_alloc : memref<!tpu.dma_semaphore, #tpu.memory_space<semaphore_mem>>
      %dma_start3A = arith.constant 0 : i32
      %dma_start3A_27 = tpu.memref_slice %arg10[%mul3A_2, %dma_start3A] : memref<10008x128xf32, #tpu.memory_space<vmem_shared>> -> memref<624x128xf32, #tpu.memory_space<vmem_shared>>
      %dma_start3A_28 = arith.constant 0 : i32
      %dma_start3A_29 = tpu.memref_slice %arg5[%mul3A_0, %dma_start3A_28] : memref<10000x128xf32, #tpu.memory_space<hbm>> -> memref<624x128xf32, #tpu.memory_space<hbm>>
      tpu.enqueue_dma source(%dma_start3A_29 : memref<624x128xf32, #tpu.memory_space<hbm>>) target(%dma_start3A_27 : memref<624x128xf32, #tpu.memory_space<vmem_shared>>) target_semaphore(%run_scoped3A : memref<!tpu.dma_semaphore, #tpu.memory_space<semaphore_mem>>)
      %dma_wait3A = arith.constant 0 : i32
      %dma_wait3A_30 = tpu.memref_slice %arg10[%mul3A_2, %dma_wait3A] : memref<10008x128xf32, #tpu.memory_space<vmem_shared>> -> memref<624x128xf32, #tpu.memory_space<vmem_shared>>
      %dma_wait3A_31 = arith.constant 0 : i32
      %dma_wait3A_32 = tpu.memref_slice %arg5[%mul3A_0, %dma_wait3A_31] : memref<10000x128xf32, #tpu.memory_space<hbm>> -> memref<624x128xf32, #tpu.memory_space<hbm>>
      tpu.wait_dma2 semaphore(%run_scoped3A : memref<!tpu.dma_semaphore, #tpu.memory_space<semaphore_mem>>) src(%dma_wait3A_32 : memref<624x128xf32, #tpu.memory_space<hbm>>) dst(%dma_wait3A_30 : memref<624x128xf32, #tpu.memory_space<vmem_shared>>)
      tpu.yield
    }) : () -> ()
    %eq3A = arith.constant 0 : i32
    %eq3A_3 = arith.cmpi eq, %arg1, %eq3A : i32
    %convert_element_type3A = arith.extui %eq3A_3 : i1 to i32
    %cond3A = arith.constant 0 : i32
    %cond3A_4 = arith.cmpi ne, %convert_element_type3A, %cond3A : i32
    scf.if %cond3A_4 {
      "tpu.region"() ({
        %run_scoped3A = tpu.sem_alloc : memref<!tpu.dma_semaphore, #tpu.memory_space<semaphore_mem>>
        %dma_start3A = arith.constant 9984 : i32
        %dma_start3A_27 = arith.constant 0 : i32
        %dma_start3A_28 = tpu.memref_slice %arg10[%dma_start3A, %dma_start3A_27] : memref<10008x128xf32, #tpu.memory_space<vmem_shared>> -> memref<16x128xf32, #tpu.memory_space<vmem_shared>>
        %dma_start3A_29 = arith.constant 9984 : i32
        %dma_start3A_30 = arith.constant 0 : i32
        %dma_start3A_31 = tpu.memref_slice %arg5[%dma_start3A_29, %dma_start3A_30] : memref<10000x128xf32, #tpu.memory_space<hbm>> -> memref<16x128xf32, #tpu.memory_space<hbm>>
        tpu.enqueue_dma source(%dma_start3A_31 : memref<16x128xf32, #tpu.memory_space<hbm>>) target(%dma_start3A_28 : memref<16x128xf32, #tpu.memory_space<vmem_shared>>) target_semaphore(%run_scoped3A : memref<!tpu.dma_semaphore, #tpu.memory_space<semaphore_mem>>)
        %dma_wait3A = arith.constant 9984 : i32
        %dma_wait3A_32 = arith.constant 0 : i32
        %dma_wait3A_33 = tpu.memref_slice %arg10[%dma_wait3A, %dma_wait3A_32] : memref<10008x128xf32, #tpu.memory_space<vmem_shared>> -> memref<16x128xf32, #tpu.memory_space<vmem_shared>>
        %dma_wait3A_34 = arith.constant 9984 : i32
        %dma_wait3A_35 = arith.constant 0 : i32
        %dma_wait3A_36 = tpu.memref_slice %arg5[%dma_wait3A_34, %dma_wait3A_35] : memref<10000x128xf32, #tpu.memory_space<hbm>> -> memref<16x128xf32, #tpu.memory_space<hbm>>
        tpu.wait_dma2 semaphore(%run_scoped3A : memref<!tpu.dma_semaphore, #tpu.memory_space<semaphore_mem>>) src(%dma_wait3A_36 : memref<16x128xf32, #tpu.memory_space<hbm>>) dst(%dma_wait3A_33 : memref<16x128xf32, #tpu.memory_space<vmem_shared>>)
        tpu.yield
      }) : () -> ()
    } else {
    }
    %barrier3A = arith.constant 0 : index
    tpu.barrier barrier_id(%barrier3A)
    %mul3A_5 = arith.constant 16 : i32
    %mul3A_6 = arith.muli %arg0, %mul3A_5 : i32
    %add3A = arith.addi %mul3A_6, %arg1 : i32
    %mul3A_7 = arith.constant 10080 : i32
    %mul3A_8 = arith.muli %add3A, %mul3A_7 : i32
    %scan3A = arith.constant 0 : i32
    %scan3A_9 = arith.constant 0 : i32
    %scan3A_10 = arith.constant 105 : i32
    %scan3A_11 = arith.addi %scan3A_9, %scan3A_10 : i32
    %scan3A_12 = arith.constant 1 : i32
    scf.for %scan3A_27 = %scan3A_9 to %scan3A_11 step %scan3A_12  : i32 {
      %mul3A_28 = arith.constant 96 : i32
      %mul3A_29 = arith.muli %scan3A_27, %mul3A_28 : i32
      %add3A_30 = arith.addi %mul3A_8, %mul3A_29 : i32
      "tpu.region"() ({
        %run_scoped3A = tpu.sem_alloc : memref<!tpu.dma_semaphore, #tpu.memory_space<semaphore_mem>>
        %dma_start3A_35 = tpu.memref_slice %arg3[%add3A_30] : memref<322560xi32, #tpu.memory_space<hbm>> -> memref<96xi32, #tpu.memory_space<hbm>>
        %dma_start3A_36 = tpu.memref_slice %arg3[%add3A_30] : memref<322560xi32, #tpu.memory_space<hbm>> -> memref<96xi32, #tpu.memory_space<hbm>>
        tpu.enqueue_dma source(%dma_start3A_36 : memref<96xi32, #tpu.memory_space<hbm>>) target(%arg7 : memref<96xi32, #tpu.memory_space<vmem>>) target_semaphore(%run_scoped3A : memref<!tpu.dma_semaphore, #tpu.memory_space<semaphore_mem>>)
        %dma_wait3A_37 = tpu.memref_slice %arg3[%add3A_30] : memref<322560xi32, #tpu.memory_space<hbm>> -> memref<96xi32, #tpu.memory_space<hbm>>
        %dma_wait3A_38 = tpu.memref_slice %arg3[%add3A_30] : memref<322560xi32, #tpu.memory_space<hbm>> -> memref<96xi32, #tpu.memory_space<hbm>>
        tpu.wait_dma2 semaphore(%run_scoped3A : memref<!tpu.dma_semaphore, #tpu.memory_space<semaphore_mem>>) src(%dma_wait3A_38 : memref<96xi32, #tpu.memory_space<hbm>>) dst(%arg7 : memref<96xi32, #tpu.memory_space<vmem>>)
        tpu.yield
      }) : () -> ()
      "tpu.region"() ({
        %run_scoped3A = tpu.sem_alloc : memref<!tpu.dma_semaphore, #tpu.memory_space<semaphore_mem>>
        %dma_start3A_35 = tpu.memref_slice %arg4[%add3A_30] : memref<322560xi32, #tpu.memory_space<hbm>> -> memref<96xi32, #tpu.memory_space<hbm>>
        %dma_start3A_36 = tpu.memref_slice %arg4[%add3A_30] : memref<322560xi32, #tpu.memory_space<hbm>> -> memref<96xi32, #tpu.memory_space<hbm>>
        tpu.enqueue_dma source(%dma_start3A_36 : memref<96xi32, #tpu.memory_space<hbm>>) target(%arg8 : memref<96xi32, #tpu.memory_space<vmem>>) target_semaphore(%run_scoped3A : memref<!tpu.dma_semaphore, #tpu.memory_space<semaphore_mem>>)
        %dma_wait3A_37 = tpu.memref_slice %arg4[%add3A_30] : memref<322560xi32, #tpu.memory_space<hbm>> -> memref<96xi32, #tpu.memory_space<hbm>>
        %dma_wait3A_38 = tpu.memref_slice %arg4[%add3A_30] : memref<322560xi32, #tpu.memory_space<hbm>> -> memref<96xi32, #tpu.memory_space<hbm>>
        tpu.wait_dma2 semaphore(%run_scoped3A : memref<!tpu.dma_semaphore, #tpu.memory_space<semaphore_mem>>) src(%dma_wait3A_38 : memref<96xi32, #tpu.memory_space<hbm>>) dst(%arg8 : memref<96xi32, #tpu.memory_space<vmem>>)
        tpu.yield
      }) : () -> ()
      %dma_start3A = arith.constant 0 : i32
      %dma_start3A_31 = arith.constant 0 : i32
      %dma_start3A_32 = tpu.memref_slice %arg2[%dma_start3A, %dma_start3A_31] : memref<10000x128xf32, #tpu.memory_space<hbm>> -> memref<10000x128xf32, #tpu.memory_space<hbm>>
      tpu.enqueue_indirect_dma source(%dma_start3A_32 : memref<10000x128xf32, #tpu.memory_space<hbm>>) target(%arg9 : memref<96x128xf32, #tpu.memory_space<vmem>>) offsets(%arg7 : memref<96xi32, #tpu.memory_space<vmem>>) semaphore(%arg11 : memref<!tpu.dma_semaphore, #tpu.memory_space<semaphore_mem>>)
      %dma_wait3A = arith.constant 0 : i32
      %dma_wait3A_33 = arith.constant 0 : i32
      %dma_wait3A_34 = tpu.memref_slice %arg2[%dma_wait3A, %dma_wait3A_33] : memref<10000x128xf32, #tpu.memory_space<hbm>> -> memref<10000x128xf32, #tpu.memory_space<hbm>>
      tpu.wait_indirect_dma semaphore(%arg11 : memref<!tpu.dma_semaphore, #tpu.memory_space<semaphore_mem>>) src(%dma_wait3A_34 : memref<10000x128xf32, #tpu.memory_space<hbm>>) dst(%arg9 : memref<96x128xf32, #tpu.memory_space<vmem>>)
      "tpu.region"() ({
        %run_scoped3A = tpu.sem_alloc : memref<!tpu.dma_semaphore, #tpu.memory_space<semaphore_mem>>
        %dma_start3A_35 = arith.constant 0 : i32
        %dma_start3A_36 = arith.constant 0 : i32
        %dma_start3A_37 = tpu.memref_slice %arg10[%dma_start3A_35, %dma_start3A_36] : memref<10008x128xf32, #tpu.memory_space<vmem_shared>> -> memref<10008x128xf32, #tpu.memory_space<vmem_shared>>
        tpu.enqueue_indirect_dma source(%arg9 : memref<96x128xf32, #tpu.memory_space<vmem>>) target(%dma_start3A_37 : memref<10008x128xf32, #tpu.memory_space<vmem_shared>>) offsets(%arg8 : memref<96xi32, #tpu.memory_space<vmem>>) semaphore(%run_scoped3A : memref<!tpu.dma_semaphore, #tpu.memory_space<semaphore_mem>>) {add = true}
        %dma_wait3A_38 = arith.constant 0 : i32
        %dma_wait3A_39 = arith.constant 0 : i32
        %dma_wait3A_40 = tpu.memref_slice %arg10[%dma_wait3A_38, %dma_wait3A_39] : memref<10008x128xf32, #tpu.memory_space<vmem_shared>> -> memref<10008x128xf32, #tpu.memory_space<vmem_shared>>
        tpu.wait_indirect_dma semaphore(%run_scoped3A : memref<!tpu.dma_semaphore, #tpu.memory_space<semaphore_mem>>) src(%arg9 : memref<96x128xf32, #tpu.memory_space<vmem>>) dst(%dma_wait3A_40 : memref<10008x128xf32, #tpu.memory_space<vmem_shared>>)
        tpu.yield
      }) : () -> ()
    }
    %scan3A_13 = arith.constant 105 : i32
    %barrier3A_14 = arith.constant 0 : index
    tpu.barrier barrier_id(%barrier3A_14)
    %mul3A_15 = arith.constant 624 : i32
    %mul3A_16 = arith.muli %arg1, %mul3A_15 : i32
    %mul3A_17 = arith.constant 10000 : i32
    %mul3A_18 = arith.muli %arg0, %mul3A_17 : i32
    %mul3A_19 = arith.constant 624 : i32
    %mul3A_20 = arith.muli %arg1, %mul3A_19 : i32
    %add3A_21 = arith.addi %mul3A_18, %mul3A_20 : i32
    "tpu.region"() ({
      %run_scoped3A = tpu.sem_alloc : memref<!tpu.dma_semaphore, #tpu.memory_space<semaphore_mem>>
      %dma_start3A = arith.constant 0 : i32
      %dma_start3A_27 = tpu.memref_slice %arg6[%add3A_21, %dma_start3A] : memref<20000x128xf32, #tpu.memory_space<hbm>> -> memref<624x128xf32, #tpu.memory_space<hbm>>
      %dma_start3A_28 = arith.constant 0 : i32
      %dma_start3A_29 = tpu.memref_slice %arg10[%mul3A_16, %dma_start3A_28] : memref<10008x128xf32, #tpu.memory_space<vmem_shared>> -> memref<624x128xf32, #tpu.memory_space<vmem_shared>>
      tpu.enqueue_dma source(%dma_start3A_29 : memref<624x128xf32, #tpu.memory_space<vmem_shared>>) target(%dma_start3A_27 : memref<624x128xf32, #tpu.memory_space<hbm>>) target_semaphore(%run_scoped3A : memref<!tpu.dma_semaphore, #tpu.memory_space<semaphore_mem>>)
      %dma_wait3A = arith.constant 0 : i32
      %dma_wait3A_30 = tpu.memref_slice %arg6[%add3A_21, %dma_wait3A] : memref<20000x128xf32, #tpu.memory_space<hbm>> -> memref<624x128xf32, #tpu.memory_space<hbm>>
      %dma_wait3A_31 = arith.constant 0 : i32
      %dma_wait3A_32 = tpu.memref_slice %arg10[%mul3A_16, %dma_wait3A_31] : memref<10008x128xf32, #tpu.memory_space<vmem_shared>> -> memref<624x128xf32, #tpu.memory_space<vmem_shared>>
      tpu.wait_dma2 semaphore(%run_scoped3A : memref<!tpu.dma_semaphore, #tpu.memory_space<semaphore_mem>>) src(%dma_wait3A_32 : memref<624x128xf32, #tpu.memory_space<vmem_shared>>) dst(%dma_wait3A_30 : memref<624x128xf32, #tpu.memory_space<hbm>>)
      tpu.yield
    }) : () -> ()
    %eq3A_22 = arith.constant 0 : i32
    %eq3A_23 = arith.cmpi eq, %arg1, %eq3A_22 : i32
    %convert_element_type3A_24 = arith.extui %eq3A_23 : i1 to i32
    %cond3A_25 = arith.constant 0 : i32
    %cond3A_26 = arith.cmpi ne, %convert_element_type3A_24, %cond3A_25 : i32
    scf.if %cond3A_26 {
      %mul3A_27 = arith.constant 10000 : i32
      %mul3A_28 = arith.muli %arg0, %mul3A_27 : i32
      %add3A_29 = arith.constant 9984 : i32
      %add3A_30 = arith.addi %mul3A_28, %add3A_29 : i32
      "tpu.region"() ({
        %run_scoped3A = tpu.sem_alloc : memref<!tpu.dma_semaphore, #tpu.memory_space<semaphore_mem>>
        %dma_start3A = arith.constant 0 : i32
        %dma_start3A_31 = tpu.memref_slice %arg6[%add3A_30, %dma_start3A] : memref<20000x128xf32, #tpu.memory_space<hbm>> -> memref<16x128xf32, #tpu.memory_space<hbm>>
        %dma_start3A_32 = arith.constant 9984 : i32
        %dma_start3A_33 = arith.constant 0 : i32
        %dma_start3A_34 = tpu.memref_slice %arg10[%dma_start3A_32, %dma_start3A_33] : memref<10008x128xf32, #tpu.memory_space<vmem_shared>> -> memref<16x128xf32, #tpu.memory_space<vmem_shared>>
        tpu.enqueue_dma source(%dma_start3A_34 : memref<16x128xf32, #tpu.memory_space<vmem_shared>>) target(%dma_start3A_31 : memref<16x128xf32, #tpu.memory_space<hbm>>) target_semaphore(%run_scoped3A : memref<!tpu.dma_semaphore, #tpu.memory_space<semaphore_mem>>)
        %dma_wait3A = arith.constant 0 : i32
        %dma_wait3A_35 = tpu.memref_slice %arg6[%add3A_30, %dma_wait3A] : memref<20000x128xf32, #tpu.memory_space<hbm>> -> memref<16x128xf32, #tpu.memory_space<hbm>>
        %dma_wait3A_36 = arith.constant 9984 : i32
        %dma_wait3A_37 = arith.constant 0 : i32
        %dma_wait3A_38 = tpu.memref_slice %arg10[%dma_wait3A_36, %dma_wait3A_37] : memref<10008x128xf32, #tpu.memory_space<vmem_shared>> -> memref<16x128xf32, #tpu.memory_space<vmem_shared>>
        tpu.wait_dma2 semaphore(%run_scoped3A : memref<!tpu.dma_semaphore, #tpu.memory_space<semaphore_mem>>) src(%dma_wait3A_38 : memref<16x128xf32, #tpu.memory_space<vmem_shared>>) dst(%dma_wait3A_35 : memref<16x128xf32, #tpu.memory_space<hbm>>)
        tpu.yield
      }) : () -> ()
    } else {
    }
    return
  }
}

#map = affine_map<(d0, d1) -> (0, 0)>
#map1 = affine_map<(d0, d1) -> (0)>
module attributes {stable_mosaic.version = 14 : i64} {
  func.func @agg(%arg0: i32, %arg1: i32, %arg2: memref<10000x128xf32, #tpu.memory_space<hbm>>, %arg3: memref<322560xi32, #tpu.memory_space<hbm>>, %arg4: memref<322560xi32, #tpu.memory_space<hbm>>, %arg5: memref<10000x128xf32, #tpu.memory_space<hbm>>, %arg6: memref<20000x128xf32, #tpu.memory_space<hbm>>, %arg7: memref<96xi32, #tpu.memory_space<vmem>>, %arg8: memref<96xi32, #tpu.memory_space<vmem>>, %arg9: memref<96x128xf32, #tpu.memory_space<vmem>>, %arg10: memref<10008x128xf32, #tpu.memory_space<vmem_shared>>, %arg11: memref<!tpu.dma_semaphore, #tpu.memory_space<semaphore_mem>>) attributes {dimension_semantics = [#tpu.dimension_semantics<core_parallel>, #tpu.dimension_semantics<subcore_parallel>], iteration_bounds = array<i64: 2, 16>, scalar_prefetch = 0 : i64, scratch_operands = 5 : i64, tpu.core_type = #tpu.core_type<sc_vector_subcore>, window_params = [{transform_indices = #map}, {transform_indices = #map1}, {transform_indices = #map1}, {transform_indices = #map}, {transform_indices = #map}]} {
    %mul3A = arith.constant 624 : i32
    %mul3A_0 = arith.muli %arg1, %mul3A : i32
    %mul3A_1 = arith.constant 624 : i32
    %mul3A_2 = arith.muli %arg1, %mul3A_1 : i32
    "tpu.region"() ({
      %run_scoped3A = tpu.sem_alloc : memref<!tpu.dma_semaphore, #tpu.memory_space<semaphore_mem>>
      %dma_start3A = arith.constant 0 : i32
      %dma_start3A_27 = tpu.memref_slice %arg10[%mul3A_2, %dma_start3A] : memref<10008x128xf32, #tpu.memory_space<vmem_shared>> -> memref<624x128xf32, #tpu.memory_space<vmem_shared>>
      %dma_start3A_28 = arith.constant 0 : i32
      %dma_start3A_29 = tpu.memref_slice %arg5[%mul3A_0, %dma_start3A_28] : memref<10000x128xf32, #tpu.memory_space<hbm>> -> memref<624x128xf32, #tpu.memory_space<hbm>>
      tpu.enqueue_dma source(%dma_start3A_29 : memref<624x128xf32, #tpu.memory_space<hbm>>) target(%dma_start3A_27 : memref<624x128xf32, #tpu.memory_space<vmem_shared>>) target_semaphore(%run_scoped3A : memref<!tpu.dma_semaphore, #tpu.memory_space<semaphore_mem>>)
      %dma_wait3A = arith.constant 0 : i32
      %dma_wait3A_30 = tpu.memref_slice %arg10[%mul3A_2, %dma_wait3A] : memref<10008x128xf32, #tpu.memory_space<vmem_shared>> -> memref<624x128xf32, #tpu.memory_space<vmem_shared>>
      %dma_wait3A_31 = arith.constant 0 : i32
      %dma_wait3A_32 = tpu.memref_slice %arg5[%mul3A_0, %dma_wait3A_31] : memref<10000x128xf32, #tpu.memory_space<hbm>> -> memref<624x128xf32, #tpu.memory_space<hbm>>
      tpu.wait_dma2 semaphore(%run_scoped3A : memref<!tpu.dma_semaphore, #tpu.memory_space<semaphore_mem>>) src(%dma_wait3A_32 : memref<624x128xf32, #tpu.memory_space<hbm>>) dst(%dma_wait3A_30 : memref<624x128xf32, #tpu.memory_space<vmem_shared>>)
      tpu.yield
    }) : () -> ()
    %eq3A = arith.constant 0 : i32
    %eq3A_3 = arith.cmpi eq, %arg1, %eq3A : i32
    %convert_element_type3A = arith.extui %eq3A_3 : i1 to i32
    %cond3A = arith.constant 0 : i32
    %cond3A_4 = arith.cmpi ne, %convert_element_type3A, %cond3A : i32
    scf.if %cond3A_4 {
      "tpu.region"() ({
        %run_scoped3A = tpu.sem_alloc : memref<!tpu.dma_semaphore, #tpu.memory_space<semaphore_mem>>
        %dma_start3A = arith.constant 9984 : i32
        %dma_start3A_27 = arith.constant 0 : i32
        %dma_start3A_28 = tpu.memref_slice %arg10[%dma_start3A, %dma_start3A_27] : memref<10008x128xf32, #tpu.memory_space<vmem_shared>> -> memref<16x128xf32, #tpu.memory_space<vmem_shared>>
        %dma_start3A_29 = arith.constant 9984 : i32
        %dma_start3A_30 = arith.constant 0 : i32
        %dma_start3A_31 = tpu.memref_slice %arg5[%dma_start3A_29, %dma_start3A_30] : memref<10000x128xf32, #tpu.memory_space<hbm>> -> memref<16x128xf32, #tpu.memory_space<hbm>>
        tpu.enqueue_dma source(%dma_start3A_31 : memref<16x128xf32, #tpu.memory_space<hbm>>) target(%dma_start3A_28 : memref<16x128xf32, #tpu.memory_space<vmem_shared>>) target_semaphore(%run_scoped3A : memref<!tpu.dma_semaphore, #tpu.memory_space<semaphore_mem>>)
        %dma_wait3A = arith.constant 9984 : i32
        %dma_wait3A_32 = arith.constant 0 : i32
        %dma_wait3A_33 = tpu.memref_slice %arg10[%dma_wait3A, %dma_wait3A_32] : memref<10008x128xf32, #tpu.memory_space<vmem_shared>> -> memref<16x128xf32, #tpu.memory_space<vmem_shared>>
        %dma_wait3A_34 = arith.constant 9984 : i32
        %dma_wait3A_35 = arith.constant 0 : i32
        %dma_wait3A_36 = tpu.memref_slice %arg5[%dma_wait3A_34, %dma_wait3A_35] : memref<10000x128xf32, #tpu.memory_space<hbm>> -> memref<16x128xf32, #tpu.memory_space<hbm>>
        tpu.wait_dma2 semaphore(%run_scoped3A : memref<!tpu.dma_semaphore, #tpu.memory_space<semaphore_mem>>) src(%dma_wait3A_36 : memref<16x128xf32, #tpu.memory_space<hbm>>) dst(%dma_wait3A_33 : memref<16x128xf32, #tpu.memory_space<vmem_shared>>)
        tpu.yield
      }) : () -> ()
    } else {
    }
    %barrier3A = arith.constant 0 : index
    tpu.barrier barrier_id(%barrier3A)
    %mul3A_5 = arith.constant 16 : i32
    %mul3A_6 = arith.muli %arg0, %mul3A_5 : i32
    %add3A = arith.addi %mul3A_6, %arg1 : i32
    %mul3A_7 = arith.constant 10080 : i32
    %mul3A_8 = arith.muli %add3A, %mul3A_7 : i32
    %scan3A = arith.constant 0 : i32
    %scan3A_9 = arith.constant 0 : i32
    %scan3A_10 = arith.constant 105 : i32
    %scan3A_11 = arith.addi %scan3A_9, %scan3A_10 : i32
    %scan3A_12 = arith.constant 1 : i32
    scf.for %scan3A_27 = %scan3A_9 to %scan3A_11 step %scan3A_12  : i32 {
      %mul3A_28 = arith.constant 96 : i32
      %mul3A_29 = arith.muli %scan3A_27, %mul3A_28 : i32
      %add3A_30 = arith.addi %mul3A_8, %mul3A_29 : i32
      "tpu.region"() ({
        %run_scoped3A = tpu.sem_alloc : memref<!tpu.dma_semaphore, #tpu.memory_space<semaphore_mem>>
        %dma_start3A_35 = tpu.memref_slice %arg3[%add3A_30] : memref<322560xi32, #tpu.memory_space<hbm>> -> memref<96xi32, #tpu.memory_space<hbm>>
        %dma_start3A_36 = tpu.memref_slice %arg3[%add3A_30] : memref<322560xi32, #tpu.memory_space<hbm>> -> memref<96xi32, #tpu.memory_space<hbm>>
        tpu.enqueue_dma source(%dma_start3A_36 : memref<96xi32, #tpu.memory_space<hbm>>) target(%arg7 : memref<96xi32, #tpu.memory_space<vmem>>) target_semaphore(%run_scoped3A : memref<!tpu.dma_semaphore, #tpu.memory_space<semaphore_mem>>)
        %dma_wait3A_37 = tpu.memref_slice %arg3[%add3A_30] : memref<322560xi32, #tpu.memory_space<hbm>> -> memref<96xi32, #tpu.memory_space<hbm>>
        %dma_wait3A_38 = tpu.memref_slice %arg3[%add3A_30] : memref<322560xi32, #tpu.memory_space<hbm>> -> memref<96xi32, #tpu.memory_space<hbm>>
        tpu.wait_dma2 semaphore(%run_scoped3A : memref<!tpu.dma_semaphore, #tpu.memory_space<semaphore_mem>>) src(%dma_wait3A_38 : memref<96xi32, #tpu.memory_space<hbm>>) dst(%arg7 : memref<96xi32, #tpu.memory_space<vmem>>)
        tpu.yield
      }) : () -> ()
      "tpu.region"() ({
        %run_scoped3A = tpu.sem_alloc : memref<!tpu.dma_semaphore, #tpu.memory_space<semaphore_mem>>
        %dma_start3A_35 = tpu.memref_slice %arg4[%add3A_30] : memref<322560xi32, #tpu.memory_space<hbm>> -> memref<96xi32, #tpu.memory_space<hbm>>
        %dma_start3A_36 = tpu.memref_slice %arg4[%add3A_30] : memref<322560xi32, #tpu.memory_space<hbm>> -> memref<96xi32, #tpu.memory_space<hbm>>
        tpu.enqueue_dma source(%dma_start3A_36 : memref<96xi32, #tpu.memory_space<hbm>>) target(%arg8 : memref<96xi32, #tpu.memory_space<vmem>>) target_semaphore(%run_scoped3A : memref<!tpu.dma_semaphore, #tpu.memory_space<semaphore_mem>>)
        %dma_wait3A_37 = tpu.memref_slice %arg4[%add3A_30] : memref<322560xi32, #tpu.memory_space<hbm>> -> memref<96xi32, #tpu.memory_space<hbm>>
        %dma_wait3A_38 = tpu.memref_slice %arg4[%add3A_30] : memref<322560xi32, #tpu.memory_space<hbm>> -> memref<96xi32, #tpu.memory_space<hbm>>
        tpu.wait_dma2 semaphore(%run_scoped3A : memref<!tpu.dma_semaphore, #tpu.memory_space<semaphore_mem>>) src(%dma_wait3A_38 : memref<96xi32, #tpu.memory_space<hbm>>) dst(%arg8 : memref<96xi32, #tpu.memory_space<vmem>>)
        tpu.yield
      }) : () -> ()
      %dma_start3A = arith.constant 0 : i32
      %dma_start3A_31 = arith.constant 0 : i32
      %dma_start3A_32 = tpu.memref_slice %arg2[%dma_start3A, %dma_start3A_31] : memref<10000x128xf32, #tpu.memory_space<hbm>> -> memref<10000x128xf32, #tpu.memory_space<hbm>>
      tpu.enqueue_indirect_dma source(%dma_start3A_32 : memref<10000x128xf32, #tpu.memory_space<hbm>>) target(%arg9 : memref<96x128xf32, #tpu.memory_space<vmem>>) offsets(%arg7 : memref<96xi32, #tpu.memory_space<vmem>>) semaphore(%arg11 : memref<!tpu.dma_semaphore, #tpu.memory_space<semaphore_mem>>)
      %dma_wait3A = arith.constant 0 : i32
      %dma_wait3A_33 = arith.constant 0 : i32
      %dma_wait3A_34 = tpu.memref_slice %arg2[%dma_wait3A, %dma_wait3A_33] : memref<10000x128xf32, #tpu.memory_space<hbm>> -> memref<10000x128xf32, #tpu.memory_space<hbm>>
      tpu.wait_indirect_dma semaphore(%arg11 : memref<!tpu.dma_semaphore, #tpu.memory_space<semaphore_mem>>) src(%dma_wait3A_34 : memref<10000x128xf32, #tpu.memory_space<hbm>>) dst(%arg9 : memref<96x128xf32, #tpu.memory_space<vmem>>)
      "tpu.region"() ({
        %run_scoped3A = tpu.sem_alloc : memref<!tpu.dma_semaphore, #tpu.memory_space<semaphore_mem>>
        %dma_start3A_35 = arith.constant 0 : i32
        %dma_start3A_36 = arith.constant 0 : i32
        %dma_start3A_37 = tpu.memref_slice %arg10[%dma_start3A_35, %dma_start3A_36] : memref<10008x128xf32, #tpu.memory_space<vmem_shared>> -> memref<10008x128xf32, #tpu.memory_space<vmem_shared>>
        tpu.enqueue_indirect_dma source(%arg9 : memref<96x128xf32, #tpu.memory_space<vmem>>) target(%dma_start3A_37 : memref<10008x128xf32, #tpu.memory_space<vmem_shared>>) offsets(%arg8 : memref<96xi32, #tpu.memory_space<vmem>>) semaphore(%run_scoped3A : memref<!tpu.dma_semaphore, #tpu.memory_space<semaphore_mem>>) {add = true}
        %dma_wait3A_38 = arith.constant 0 : i32
        %dma_wait3A_39 = arith.constant 0 : i32
        %dma_wait3A_40 = tpu.memref_slice %arg10[%dma_wait3A_38, %dma_wait3A_39] : memref<10008x128xf32, #tpu.memory_space<vmem_shared>> -> memref<10008x128xf32, #tpu.memory_space<vmem_shared>>
        tpu.wait_indirect_dma semaphore(%run_scoped3A : memref<!tpu.dma_semaphore, #tpu.memory_space<semaphore_mem>>) src(%arg9 : memref<96x128xf32, #tpu.memory_space<vmem>>) dst(%dma_wait3A_40 : memref<10008x128xf32, #tpu.memory_space<vmem_shared>>)
        tpu.yield
      }) : () -> ()
    }
    %scan3A_13 = arith.constant 105 : i32
    %barrier3A_14 = arith.constant 0 : index
    tpu.barrier barrier_id(%barrier3A_14)
    %mul3A_15 = arith.constant 624 : i32
    %mul3A_16 = arith.muli %arg1, %mul3A_15 : i32
    %mul3A_17 = arith.constant 10000 : i32
    %mul3A_18 = arith.muli %arg0, %mul3A_17 : i32
    %mul3A_19 = arith.constant 624 : i32
    %mul3A_20 = arith.muli %arg1, %mul3A_19 : i32
    %add3A_21 = arith.addi %mul3A_18, %mul3A_20 : i32
    "tpu.region"() ({
      %run_scoped3A = tpu.sem_alloc : memref<!tpu.dma_semaphore, #tpu.memory_space<semaphore_mem>>
      %dma_start3A = arith.constant 0 : i32
      %dma_start3A_27 = tpu.memref_slice %arg6[%add3A_21, %dma_start3A] : memref<20000x128xf32, #tpu.memory_space<hbm>> -> memref<624x128xf32, #tpu.memory_space<hbm>>
      %dma_start3A_28 = arith.constant 0 : i32
      %dma_start3A_29 = tpu.memref_slice %arg10[%mul3A_16, %dma_start3A_28] : memref<10008x128xf32, #tpu.memory_space<vmem_shared>> -> memref<624x128xf32, #tpu.memory_space<vmem_shared>>
      tpu.enqueue_dma source(%dma_start3A_29 : memref<624x128xf32, #tpu.memory_space<vmem_shared>>) target(%dma_start3A_27 : memref<624x128xf32, #tpu.memory_space<hbm>>) target_semaphore(%run_scoped3A : memref<!tpu.dma_semaphore, #tpu.memory_space<semaphore_mem>>)
      %dma_wait3A = arith.constant 0 : i32
      %dma_wait3A_30 = tpu.memref_slice %arg6[%add3A_21, %dma_wait3A] : memref<20000x128xf32, #tpu.memory_space<hbm>> -> memref<624x128xf32, #tpu.memory_space<hbm>>
      %dma_wait3A_31 = arith.constant 0 : i32
      %dma_wait3A_32 = tpu.memref_slice %arg10[%mul3A_16, %dma_wait3A_31] : memref<10008x128xf32, #tpu.memory_space<vmem_shared>> -> memref<624x128xf32, #tpu.memory_space<vmem_shared>>
      tpu.wait_dma2 semaphore(%run_scoped3A : memref<!tpu.dma_semaphore, #tpu.memory_space<semaphore_mem>>) src(%dma_wait3A_32 : memref<624x128xf32, #tpu.memory_space<vmem_shared>>) dst(%dma_wait3A_30 : memref<624x128xf32, #tpu.memory_space<hbm>>)
      tpu.yield
    }) : () -> ()
    %eq3A_22 = arith.constant 0 : i32
    %eq3A_23 = arith.cmpi eq, %arg1, %eq3A_22 : i32
    %convert_element_type3A_24 = arith.extui %eq3A_23 : i1 to i32
    %cond3A_25 = arith.constant 0 : i32
    %cond3A_26 = arith.cmpi ne, %convert_element_type3A_24, %cond3A_25 : i32
    scf.if %cond3A_26 {
      %mul3A_27 = arith.constant 10000 : i32
      %mul3A_28 = arith.muli %arg0, %mul3A_27 : i32
      %add3A_29 = arith.constant 9984 : i32
      %add3A_30 = arith.addi %mul3A_28, %add3A_29 : i32
      "tpu.region"() ({
        %run_scoped3A = tpu.sem_alloc : memref<!tpu.dma_semaphore, #tpu.memory_space<semaphore_mem>>
        %dma_start3A = arith.constant 0 : i32
        %dma_start3A_31 = tpu.memref_slice %arg6[%add3A_30, %dma_start3A] : memref<20000x128xf32, #tpu.memory_space<hbm>> -> memref<16x128xf32, #tpu.memory_space<hbm>>
        %dma_start3A_32 = arith.constant 9984 : i32
        %dma_start3A_33 = arith.constant 0 : i32
        %dma_start3A_34 = tpu.memref_slice %arg10[%dma_start3A_32, %dma_start3A_33] : memref<10008x128xf32, #tpu.memory_space<vmem_shared>> -> memref<16x128xf32, #tpu.memory_space<vmem_shared>>
        tpu.enqueue_dma source(%dma_start3A_34 : memref<16x128xf32, #tpu.memory_space<vmem_shared>>) target(%dma_start3A_31 : memref<16x128xf32, #tpu.memory_space<hbm>>) target_semaphore(%run_scoped3A : memref<!tpu.dma_semaphore, #tpu.memory_space<semaphore_mem>>)
        %dma_wait3A = arith.constant 0 : i32
        %dma_wait3A_35 = tpu.memref_slice %arg6[%add3A_30, %dma_wait3A] : memref<20000x128xf32, #tpu.memory_space<hbm>> -> memref<16x128xf32, #tpu.memory_space<hbm>>
        %dma_wait3A_36 = arith.constant 9984 : i32
        %dma_wait3A_37 = arith.constant 0 : i32
        %dma_wait3A_38 = tpu.memref_slice %arg10[%dma_wait3A_36, %dma_wait3A_37] : memref<10008x128xf32, #tpu.memory_space<vmem_shared>> -> memref<16x128xf32, #tpu.memory_space<vmem_shared>>
        tpu.wait_dma2 semaphore(%run_scoped3A : memref<!tpu.dma_semaphore, #tpu.memory_space<semaphore_mem>>) src(%dma_wait3A_38 : memref<16x128xf32, #tpu.memory_space<vmem_shared>>) dst(%dma_wait3A_35 : memref<16x128xf32, #tpu.memory_space<hbm>>)
        tpu.yield
      }) : () -> ()
    } else {
    }
    return
  }
}

module attributes {stable_mosaic.version = 14 : i64} {
  func.func @body(%arg0: i32, %arg1: memref<2000x128xf32, #tpu.memory_space<vmem>>, %arg2: memref<2000x128xf32, #tpu.memory_space<vmem>>, %arg3: memref<2000x128xf32, #tpu.memory_space<vmem>>, %arg4: memref<128x128xf32, #tpu.memory_space<vmem>>, %arg5: memref<1x128xf32, #tpu.memory_space<vmem>>, %arg6: memref<128x128xf32, #tpu.memory_space<vmem>>, %arg7: memref<1x128xf32, #tpu.memory_space<vmem>>, %arg8: memref<2000x128xf32, #tpu.memory_space<vmem>>) attributes {dimension_semantics = [#tpu.dimension_semantics<arbitrary>], iteration_bounds = array<i64: 5>, scalar_prefetch = 0 : i64, scratch_operands = 0 : i64, tpu.core_type = #tpu.core_type<tc>, window_params = [{transform_indices = @transform_0, window_bounds = array<i64: 2000, 128>}, {transform_indices = @transform_1, window_bounds = array<i64: 2000, 128>}, {transform_indices = @transform_2, window_bounds = array<i64: 2000, 128>}, {pipeline_mode = #tpu.pipeline_mode<synchronous>, transform_indices = @transform_3, window_bounds = array<i64: 128, 128>}, {pipeline_mode = #tpu.pipeline_mode<synchronous>, transform_indices = @transform_4, window_bounds = array<i64: 1, 128>}, {pipeline_mode = #tpu.pipeline_mode<synchronous>, transform_indices = @transform_5, window_bounds = array<i64: 128, 128>}, {pipeline_mode = #tpu.pipeline_mode<synchronous>, transform_indices = @transform_6, window_bounds = array<i64: 1, 128>}, {transform_indices = @transform_7, window_bounds = array<i64: 2000, 128>}]} {
    %get3A = arith.constant 0 : index
    %get3A_0 = arith.constant 0 : index
    %get3A_1 = vector.load %arg1[%get3A, %get3A_0] : memref<2000x128xf32, #tpu.memory_space<vmem>>, vector<2000x128xf32>
    %get3A_2 = arith.constant 0 : index
    %get3A_3 = arith.constant 0 : index
    %get3A_4 = vector.load %arg2[%get3A_2, %get3A_3] : memref<2000x128xf32, #tpu.memory_space<vmem>>, vector<2000x128xf32>
    %add3A = arith.addf %get3A_1, %get3A_4 : vector<2000x128xf32>
    %get3A_5 = arith.constant 0 : index
    %get3A_6 = arith.constant 0 : index
    %get3A_7 = vector.load %arg3[%get3A_5, %get3A_6] : memref<2000x128xf32, #tpu.memory_space<vmem>>, vector<2000x128xf32>
    %add3A_8 = arith.addf %add3A, %get3A_7 : vector<2000x128xf32>
    %get3A_9 = arith.constant 0 : index
    %get3A_10 = arith.constant 0 : index
    %get3A_11 = vector.load %arg4[%get3A_9, %get3A_10] : memref<128x128xf32, #tpu.memory_space<vmem>>, vector<128x128xf32>
    %dot_general3A = arith.constant dense<0.000000e+00> : vector<2000x128xf32>
    %dot_general3A_12 = tpu.matmul %add3A_8, %get3A_11, %dot_general3A {dimension_numbers = #tpu.dot_dimension_numbers<[1], [0], [0], [1], [0, 0, 1, 1], [], []>, precision = #tpu.contract_precision<fp32>, transpose_lhs_hint = false} : vector<2000x128xf32>, vector<128x128xf32>, vector<2000x128xf32> -> vector<2000x128xf32>
    %get3A_13 = arith.constant 0 : index
    %get3A_14 = arith.constant 0 : index
    %get3A_15 = vector.load %arg5[%get3A_13, %get3A_14] : memref<1x128xf32, #tpu.memory_space<vmem>>, vector<1x128xf32>
    %add3A_16 = vector.broadcast %get3A_15 : vector<1x128xf32> to vector<2000x128xf32>
    %add3A_17 = arith.addf %dot_general3A_12, %add3A_16 : vector<2000x128xf32>
    %max3A = arith.constant 0.000000e+00 : f32
    %max3A_18 = vector.broadcast %max3A : f32 to vector<2000x128xf32>
    %max3A_19 = arith.maximumf %add3A_17, %max3A_18 : vector<2000x128xf32>
    %get3A_20 = arith.constant 0 : index
    %get3A_21 = arith.constant 0 : index
    %get3A_22 = vector.load %arg6[%get3A_20, %get3A_21] : memref<128x128xf32, #tpu.memory_space<vmem>>, vector<128x128xf32>
    %dot_general3A_23 = arith.constant dense<0.000000e+00> : vector<2000x128xf32>
    %dot_general3A_24 = tpu.matmul %max3A_19, %get3A_22, %dot_general3A_23 {dimension_numbers = #tpu.dot_dimension_numbers<[1], [0], [0], [1], [0, 0, 1, 1], [], []>, precision = #tpu.contract_precision<fp32>, transpose_lhs_hint = false} : vector<2000x128xf32>, vector<128x128xf32>, vector<2000x128xf32> -> vector<2000x128xf32>
    %get3A_25 = arith.constant 0 : index
    %get3A_26 = arith.constant 0 : index
    %get3A_27 = vector.load %arg7[%get3A_25, %get3A_26] : memref<1x128xf32, #tpu.memory_space<vmem>>, vector<1x128xf32>
    %add3A_28 = vector.broadcast %get3A_27 : vector<1x128xf32> to vector<2000x128xf32>
    %add3A_29 = arith.addf %dot_general3A_24, %add3A_28 : vector<2000x128xf32>
    %max3A_30 = arith.constant 0.000000e+00 : f32
    %max3A_31 = vector.broadcast %max3A_30 : f32 to vector<2000x128xf32>
    %max3A_32 = arith.maximumf %add3A_29, %max3A_31 : vector<2000x128xf32>
    %swap3A = arith.constant 0 : index
    %swap3A_33 = arith.constant 0 : index
    %swap3A_34 = vector.load %arg8[%swap3A, %swap3A_33] : memref<2000x128xf32, #tpu.memory_space<vmem>>, vector<2000x128xf32>
    tpu.vector_store %arg8[%swap3A, %swap3A_33], %max3A_32 {strides = array<i32>} : memref<2000x128xf32, #tpu.memory_space<vmem>>, vector<2000x128xf32>,
    return
  }
  func.func @transform_0(%arg0: i32) -> (i32, i32) {
    %c0_i32 = arith.constant 0 : i32
    %c0_i32_0 = arith.constant 0 : i32
    return %arg0, %c0_i32 : i32, i32
  }
  func.func @transform_1(%arg0: i32) -> (i32, i32) {
    %c0_i32 = arith.constant 0 : i32
    %c0_i32_0 = arith.constant 0 : i32
    return %arg0, %c0_i32 : i32, i32
  }
  func.func @transform_2(%arg0: i32) -> (i32, i32) {
    %add3A = arith.constant 5 : i32
    %add3A_0 = arith.addi %arg0, %add3A : i32
    %c0_i32 = arith.constant 0 : i32
    %c0_i32_1 = arith.constant 0 : i32
    return %add3A_0, %c0_i32 : i32, i32
  }
  func.func @transform_3(%arg0: i32) -> (i32, i32) {
    %c0_i32 = arith.constant 0 : i32
    %c0_i32_0 = arith.constant 0 : i32
    %c0_i32_1 = arith.constant 0 : i32
    return %c0_i32, %c0_i32_0 : i32, i32
  }
  func.func @transform_4(%arg0: i32) -> (i32, i32) {
    %c0_i32 = arith.constant 0 : i32
    %c0_i32_0 = arith.constant 0 : i32
    %c0_i32_1 = arith.constant 0 : i32
    return %c0_i32, %c0_i32_0 : i32, i32
  }
  func.func @transform_5(%arg0: i32) -> (i32, i32) {
    %c0_i32 = arith.constant 0 : i32
    %c0_i32_0 = arith.constant 0 : i32
    %c0_i32_1 = arith.constant 0 : i32
    return %c0_i32, %c0_i32_0 : i32, i32
  }
  func.func @transform_6(%arg0: i32) -> (i32, i32) {
    %c0_i32 = arith.constant 0 : i32
    %c0_i32_0 = arith.constant 0 : i32
    %c0_i32_1 = arith.constant 0 : i32
    return %c0_i32, %c0_i32_0 : i32, i32
  }
  func.func @transform_7(%arg0: i32) -> (i32, i32) {
    %c0_i32 = arith.constant 0 : i32
    %c0_i32_0 = arith.constant 0 : i32
    return %arg0, %c0_i32 : i32, i32
  }
}

module attributes {stable_mosaic.version = 14 : i64} {
  func.func @body(%arg0: i32, %arg1: memref<2000x128xf32, #tpu.memory_space<vmem>>, %arg2: memref<2000x128xf32, #tpu.memory_space<vmem>>, %arg3: memref<2000x128xf32, #tpu.memory_space<vmem>>, %arg4: memref<128x128xf32, #tpu.memory_space<vmem>>, %arg5: memref<1x128xf32, #tpu.memory_space<vmem>>, %arg6: memref<128x128xf32, #tpu.memory_space<vmem>>, %arg7: memref<1x128xf32, #tpu.memory_space<vmem>>, %arg8: memref<2000x1xi32, #tpu.memory_space<vmem>>, %arg9: memref<128x128xf32, #tpu.memory_space<vmem>>, %arg10: memref<1x128xf32, #tpu.memory_space<vmem>>, %arg11: memref<64x128xf32, #tpu.memory_space<vmem>>, %arg12: memref<64x128xf32, #tpu.memory_space<vmem>>, %arg13: memref<64x128xf32, #tpu.memory_space<vmem>>) attributes {dimension_semantics = [#tpu.dimension_semantics<arbitrary>], iteration_bounds = array<i64: 5>, scalar_prefetch = 0 : i64, scratch_operands = 2 : i64, tpu.core_type = #tpu.core_type<tc>, window_params = [{transform_indices = @transform_0, window_bounds = array<i64: 2000, 128>}, {transform_indices = @transform_1, window_bounds = array<i64: 2000, 128>}, {transform_indices = @transform_2, window_bounds = array<i64: 2000, 128>}, {pipeline_mode = #tpu.pipeline_mode<synchronous>, transform_indices = @transform_3, window_bounds = array<i64: 128, 128>}, {pipeline_mode = #tpu.pipeline_mode<synchronous>, transform_indices = @transform_4, window_bounds = array<i64: 1, 128>}, {pipeline_mode = #tpu.pipeline_mode<synchronous>, transform_indices = @transform_5, window_bounds = array<i64: 128, 128>}, {pipeline_mode = #tpu.pipeline_mode<synchronous>, transform_indices = @transform_6, window_bounds = array<i64: 1, 128>}, {transform_indices = @transform_7, window_bounds = array<i64: 2000, 1>}, {pipeline_mode = #tpu.pipeline_mode<synchronous>, transform_indices = @transform_8, window_bounds = array<i64: 128, 128>}, {pipeline_mode = #tpu.pipeline_mode<synchronous>, transform_indices = @transform_9, window_bounds = array<i64: 1, 128>}, {pipeline_mode = #tpu.pipeline_mode<synchronous>, transform_indices = @transform_10, window_bounds = array<i64: 64, 128>}]} {
    %get3A = arith.constant 0 : index
    %get3A_0 = arith.constant 0 : index
    %get3A_1 = vector.load %arg1[%get3A, %get3A_0] : memref<2000x128xf32, #tpu.memory_space<vmem>>, vector<2000x128xf32>
    %get3A_2 = arith.constant 0 : index
    %get3A_3 = arith.constant 0 : index
    %get3A_4 = vector.load %arg2[%get3A_2, %get3A_3] : memref<2000x128xf32, #tpu.memory_space<vmem>>, vector<2000x128xf32>
    %add3A = arith.addf %get3A_1, %get3A_4 : vector<2000x128xf32>
    %get3A_5 = arith.constant 0 : index
    %get3A_6 = arith.constant 0 : index
    %get3A_7 = vector.load %arg3[%get3A_5, %get3A_6] : memref<2000x128xf32, #tpu.memory_space<vmem>>, vector<2000x128xf32>
    %add3A_8 = arith.addf %add3A, %get3A_7 : vector<2000x128xf32>
    %get3A_9 = arith.constant 0 : index
    %get3A_10 = arith.constant 0 : index
    %get3A_11 = vector.load %arg4[%get3A_9, %get3A_10] : memref<128x128xf32, #tpu.memory_space<vmem>>, vector<128x128xf32>
    %dot_general3A = arith.constant dense<0.000000e+00> : vector<2000x128xf32>
    %dot_general3A_12 = tpu.matmul %add3A_8, %get3A_11, %dot_general3A {dimension_numbers = #tpu.dot_dimension_numbers<[1], [0], [0], [1], [0, 0, 1, 1], [], []>, precision = #tpu.contract_precision<fp32>, transpose_lhs_hint = false} : vector<2000x128xf32>, vector<128x128xf32>, vector<2000x128xf32> -> vector<2000x128xf32>
    %get3A_13 = arith.constant 0 : index
    %get3A_14 = arith.constant 0 : index
    %get3A_15 = vector.load %arg5[%get3A_13, %get3A_14] : memref<1x128xf32, #tpu.memory_space<vmem>>, vector<1x128xf32>
    %add3A_16 = vector.broadcast %get3A_15 : vector<1x128xf32> to vector<2000x128xf32>
    %add3A_17 = arith.addf %dot_general3A_12, %add3A_16 : vector<2000x128xf32>
    %max3A = arith.constant 0.000000e+00 : f32
    %max3A_18 = vector.broadcast %max3A : f32 to vector<2000x128xf32>
    %max3A_19 = arith.maximumf %add3A_17, %max3A_18 : vector<2000x128xf32>
    %get3A_20 = arith.constant 0 : index
    %get3A_21 = arith.constant 0 : index
    %get3A_22 = vector.load %arg6[%get3A_20, %get3A_21] : memref<128x128xf32, #tpu.memory_space<vmem>>, vector<128x128xf32>
    %dot_general3A_23 = arith.constant dense<0.000000e+00> : vector<2000x128xf32>
    %dot_general3A_24 = tpu.matmul %max3A_19, %get3A_22, %dot_general3A_23 {dimension_numbers = #tpu.dot_dimension_numbers<[1], [0], [0], [1], [0, 0, 1, 1], [], []>, precision = #tpu.contract_precision<fp32>, transpose_lhs_hint = false} : vector<2000x128xf32>, vector<128x128xf32>, vector<2000x128xf32> -> vector<2000x128xf32>
    %get3A_25 = arith.constant 0 : index
    %get3A_26 = arith.constant 0 : index
    %get3A_27 = vector.load %arg7[%get3A_25, %get3A_26] : memref<1x128xf32, #tpu.memory_space<vmem>>, vector<1x128xf32>
    %add3A_28 = vector.broadcast %get3A_27 : vector<1x128xf32> to vector<2000x128xf32>
    %add3A_29 = arith.addf %dot_general3A_24, %add3A_28 : vector<2000x128xf32>
    %iota3A = tpu.iota {dimensions = array<i32: 1>} : vector<2000x64xi32>
    %get3A_30 = arith.constant 0 : index
    %get3A_31 = arith.constant 0 : index
    %get3A_32 = vector.load %arg8[%get3A_30, %get3A_31] : memref<2000x1xi32, #tpu.memory_space<vmem>>, vector<2000x1xi32>
    %eq3A = vector.broadcast %get3A_32 : vector<2000x1xi32> to vector<2000x64xi32>
    %eq3A_33 = arith.cmpi eq, %eq3A, %iota3A : vector<2000x64xi32>
    %convert_element_type3A = arith.extui %eq3A_33 : vector<2000x64xi1> to vector<2000x64xi32>
    %convert_element_type3A_34 = arith.sitofp %convert_element_type3A : vector<2000x64xi32> to vector<2000x64xf32>
    %dot_general3A_35 = arith.constant dense<0.000000e+00> : vector<64x128xf32>
    %dot_general3A_36 = tpu.matmul %convert_element_type3A_34, %add3A_29, %dot_general3A_35 {dimension_numbers = #tpu.dot_dimension_numbers<[0], [0], [1], [1], [0, 1, 1, 1], [], []>, precision = #tpu.contract_precision<fp32>, transpose_lhs_hint = false} : vector<2000x64xf32>, vector<2000x128xf32>, vector<64x128xf32> -> vector<64x128xf32>
    %reduce_sum3A = arith.constant dense<0.000000e+00> : vector<64xf32>
    %reduce_sum3A_37 = vector.multi_reduction <add>, %convert_element_type3A_34, %reduce_sum3A [0] : vector<2000x64xf32> to vector<64xf32>
    %reshape3A = vector.shape_cast %reduce_sum3A_37 : vector<64xf32> to vector<64x1xf32>
    %broadcast_in_dim3A = vector.shape_cast %reshape3A : vector<64x1xf32> to vector<64x1xf32>
    %broadcast_in_dim3A_38 = vector.broadcast %broadcast_in_dim3A : vector<64x1xf32> to vector<64x128xf32>
    %eq3A_39 = arith.constant 0 : i32
    %eq3A_40 = arith.cmpi eq, %arg0, %eq3A_39 : i32
    %convert_element_type3A_41 = arith.extui %eq3A_40 : i1 to i32
    %cond3A = arith.constant 0 : i32
    %cond3A_42 = arith.cmpi ne, %convert_element_type3A_41, %cond3A : i32
    scf.if %cond3A_42 {
      %swap3A = arith.constant 0 : index
      %swap3A_52 = arith.constant 0 : index
      %swap3A_53 = vector.load %arg12[%swap3A, %swap3A_52] : memref<64x128xf32, #tpu.memory_space<vmem>>, vector<64x128xf32>
      tpu.vector_store %arg12[%swap3A, %swap3A_52], %dot_general3A_36 {strides = array<i32>} : memref<64x128xf32, #tpu.memory_space<vmem>>, vector<64x128xf32>,
      %swap3A_54 = arith.constant 0 : index
      %swap3A_55 = arith.constant 0 : index
      %swap3A_56 = vector.load %arg13[%swap3A_54, %swap3A_55] : memref<64x128xf32, #tpu.memory_space<vmem>>, vector<64x128xf32>
      tpu.vector_store %arg13[%swap3A_54, %swap3A_55], %broadcast_in_dim3A_38 {strides = array<i32>} : memref<64x128xf32, #tpu.memory_space<vmem>>, vector<64x128xf32>,
    } else {
    }
    %gt3A = arith.constant 0 : i32
    %gt3A_43 = arith.cmpi sgt, %arg0, %gt3A : i32
    %convert_element_type3A_44 = arith.extui %gt3A_43 : i1 to i32
    %cond3A_45 = arith.constant 0 : i32
    %cond3A_46 = arith.cmpi ne, %convert_element_type3A_44, %cond3A_45 : i32
    scf.if %cond3A_46 {
      %get3A_52 = arith.constant 0 : index
      %get3A_53 = arith.constant 0 : index
      %get3A_54 = vector.load %arg12[%get3A_52, %get3A_53] : memref<64x128xf32, #tpu.memory_space<vmem>>, vector<64x128xf32>
      %add3A_55 = arith.addf %get3A_54, %dot_general3A_36 : vector<64x128xf32>
      %swap3A = arith.constant 0 : index
      %swap3A_56 = arith.constant 0 : index
      %swap3A_57 = vector.load %arg12[%swap3A, %swap3A_56] : memref<64x128xf32, #tpu.memory_space<vmem>>, vector<64x128xf32>
      tpu.vector_store %arg12[%swap3A, %swap3A_56], %add3A_55 {strides = array<i32>} : memref<64x128xf32, #tpu.memory_space<vmem>>, vector<64x128xf32>,
      %get3A_58 = arith.constant 0 : index
      %get3A_59 = arith.constant 0 : index
      %get3A_60 = vector.load %arg13[%get3A_58, %get3A_59] : memref<64x128xf32, #tpu.memory_space<vmem>>, vector<64x128xf32>
      %add3A_61 = arith.addf %get3A_60, %broadcast_in_dim3A_38 : vector<64x128xf32>
      %swap3A_62 = arith.constant 0 : index
      %swap3A_63 = arith.constant 0 : index
      %swap3A_64 = vector.load %arg13[%swap3A_62, %swap3A_63] : memref<64x128xf32, #tpu.memory_space<vmem>>, vector<64x128xf32>
      tpu.vector_store %arg13[%swap3A_62, %swap3A_63], %add3A_61 {strides = array<i32>} : memref<64x128xf32, #tpu.memory_space<vmem>>, vector<64x128xf32>,
    } else {
    }
    %eq3A_47 = arith.constant 4 : i32
    %eq3A_48 = arith.cmpi eq, %arg0, %eq3A_47 : i32
    %convert_element_type3A_49 = arith.extui %eq3A_48 : i1 to i32
    %cond3A_50 = arith.constant 0 : i32
    %cond3A_51 = arith.cmpi ne, %convert_element_type3A_49, %cond3A_50 : i32
    scf.if %cond3A_51 {
      %get3A_52 = arith.constant 0 : index
      %get3A_53 = arith.constant 0 : index
      %get3A_54 = vector.load %arg12[%get3A_52, %get3A_53] : memref<64x128xf32, #tpu.memory_space<vmem>>, vector<64x128xf32>
      %get3A_55 = arith.constant 0 : index
      %get3A_56 = arith.constant 0 : index
      %get3A_57 = vector.load %arg13[%get3A_55, %get3A_56] : memref<64x128xf32, #tpu.memory_space<vmem>>, vector<64x128xf32>
      %max3A_58 = arith.constant 1.000000e+00 : f32
      %max3A_59 = vector.broadcast %max3A_58 : f32 to vector<64x128xf32>
      %max3A_60 = arith.maximumf %get3A_57, %max3A_59 : vector<64x128xf32>
      %div3A = arith.divf %get3A_54, %max3A_60 : vector<64x128xf32>
      %get3A_61 = arith.constant 0 : index
      %get3A_62 = arith.constant 0 : index
      %get3A_63 = vector.load %arg9[%get3A_61, %get3A_62] : memref<128x128xf32, #tpu.memory_space<vmem>>, vector<128x128xf32>
      %dot_general3A_64 = arith.constant dense<0.000000e+00> : vector<64x128xf32>
      %dot_general3A_65 = tpu.matmul %div3A, %get3A_63, %dot_general3A_64 {dimension_numbers = #tpu.dot_dimension_numbers<[1], [0], [0], [1], [0, 0, 1, 1], [], []>, precision = #tpu.contract_precision<fp32>, transpose_lhs_hint = false} : vector<64x128xf32>, vector<128x128xf32>, vector<64x128xf32> -> vector<64x128xf32>
      %get3A_66 = arith.constant 0 : index
      %get3A_67 = arith.constant 0 : index
      %get3A_68 = vector.load %arg10[%get3A_66, %get3A_67] : memref<1x128xf32, #tpu.memory_space<vmem>>, vector<1x128xf32>
      %add3A_69 = vector.broadcast %get3A_68 : vector<1x128xf32> to vector<64x128xf32>
      %add3A_70 = arith.addf %dot_general3A_65, %add3A_69 : vector<64x128xf32>
      %swap3A = arith.constant 0 : index
      %swap3A_71 = arith.constant 0 : index
      %swap3A_72 = vector.load %arg11[%swap3A, %swap3A_71] : memref<64x128xf32, #tpu.memory_space<vmem>>, vector<64x128xf32>
      tpu.vector_store %arg11[%swap3A, %swap3A_71], %add3A_70 {strides = array<i32>} : memref<64x128xf32, #tpu.memory_space<vmem>>, vector<64x128xf32>,
    } else {
    }
    return
  }
  func.func @transform_0(%arg0: i32) -> (i32, i32) {
    %c0_i32 = arith.constant 0 : i32
    %c0_i32_0 = arith.constant 0 : i32
    return %arg0, %c0_i32 : i32, i32
  }
  func.func @transform_1(%arg0: i32) -> (i32, i32) {
    %c0_i32 = arith.constant 0 : i32
    %c0_i32_0 = arith.constant 0 : i32
    return %arg0, %c0_i32 : i32, i32
  }
  func.func @transform_2(%arg0: i32) -> (i32, i32) {
    %add3A = arith.constant 5 : i32
    %add3A_0 = arith.addi %arg0, %add3A : i32
    %c0_i32 = arith.constant 0 : i32
    %c0_i32_1 = arith.constant 0 : i32
    return %add3A_0, %c0_i32 : i32, i32
  }
  func.func @transform_3(%arg0: i32) -> (i32, i32) {
    %c0_i32 = arith.constant 0 : i32
    %c0_i32_0 = arith.constant 0 : i32
    %c0_i32_1 = arith.constant 0 : i32
    return %c0_i32, %c0_i32_0 : i32, i32
  }
  func.func @transform_4(%arg0: i32) -> (i32, i32) {
    %c0_i32 = arith.constant 0 : i32
    %c0_i32_0 = arith.constant 0 : i32
    %c0_i32_1 = arith.constant 0 : i32
    return %c0_i32, %c0_i32_0 : i32, i32
  }
  func.func @transform_5(%arg0: i32) -> (i32, i32) {
    %c0_i32 = arith.constant 0 : i32
    %c0_i32_0 = arith.constant 0 : i32
    %c0_i32_1 = arith.constant 0 : i32
    return %c0_i32, %c0_i32_0 : i32, i32
  }
  func.func @transform_6(%arg0: i32) -> (i32, i32) {
    %c0_i32 = arith.constant 0 : i32
    %c0_i32_0 = arith.constant 0 : i32
    %c0_i32_1 = arith.constant 0 : i32
    return %c0_i32, %c0_i32_0 : i32, i32
  }
  func.func @transform_7(%arg0: i32) -> (i32, i32) {
    %c0_i32 = arith.constant 0 : i32
    %c0_i32_0 = arith.constant 0 : i32
    return %arg0, %c0_i32 : i32, i32
  }
  func.func @transform_8(%arg0: i32) -> (i32, i32) {
    %c0_i32 = arith.constant 0 : i32
    %c0_i32_0 = arith.constant 0 : i32
    %c0_i32_1 = arith.constant 0 : i32
    return %c0_i32, %c0_i32_0 : i32, i32
  }
  func.func @transform_9(%arg0: i32) -> (i32, i32) {
    %c0_i32 = arith.constant 0 : i32
    %c0_i32_0 = arith.constant 0 : i32
    %c0_i32_1 = arith.constant 0 : i32
    return %c0_i32, %c0_i32_0 : i32, i32
  }
  func.func @transform_10(%arg0: i32) -> (i32, i32) {
    %c0_i32 = arith.constant 0 : i32
    %c0_i32_0 = arith.constant 0 : i32
    %c0_i32_1 = arith.constant 0 : i32
    return %c0_i32, %c0_i32_0 : i32, i32
  }
}

</mosaic_0001>

<sc_bundles>
// kernel: kernel.11.cloned.1.call-start
scs
__scs_entry_jumppad:
0x0: {  	(pc) =	sbr.rel $0x88, $3  }
0x1: {  	(tag) =	ssettag $0x0;
	lr =	simm.s32 $0x1  }
0x2: {  	[smem:$0x3F90] =	sst lr;
	_ =	strace $0xD0000000  }
0x3: {  	_ = 	snop  }
0x4: {  	_ = 	snop  }
0x5: {  	_ = 	snop  }
0x6: {  	_ = 	snop  }
0x7: {  	_ = 	snop  }
__scs_overlays_trampoline_lowered:
0x8: {  	[smem:$0x3F9F] =	sst s0  }
0x9: {  	[smem:$0x3FA0] =	sst s1  }
0xa: {  	[smem:$0x3FA1] =	sst s2  }
0xb: {  	[smem:$0x3FA2] =	sst s3  }
0xc: {  	[smem:$0x3FA3] =	sst s4  }
0xd: {  	[smem:$0x3FA4] =	sst s5  }
0xe: {  	[smem:$0x3FA5] =	sst s6  }
0xf: {  	[smem:$0x3FA6] =	sst s7  }
0x10: {  	[smem:$0x3FA7] =	sst s8  }
0x11: {  	[smem:$0x3FA8] =	sst s9;
	s0 =	simm.s32 @!p0 $0x0  }
0x12: {  	s1 =	sld [smem:$0x3F8E];
	s0 =	simm.s32 @p0 $0x1  }
0x13: {  	[smem:$0x3FA9] =	sst s0;
	s0 =	simm.s32 @!p1 $0x0  }
0x14: {  	s2 =	sld [smem:$0x3F8D];
	s0 =	simm.s32 @p1 $0x1  }
0x15: {  	[smem:$0x3FAA] =	sst s0;
	s0 =	simm.s32 @!p2 $0x0  }
0x16: {  	s3 =	sld [smem:$0x3FDB];
	s0 =	simm.s32 @p2 $0x1  }
0x17: {  	s4 =	simm.s32 $0x1BF5;
	[smem:$0x3FAC] =	sst s0  }
0x18: {  	s0 =	sld [smem:$0x3F8F];
	_ =	swait.ge [sflag:s4], $0x0  }
0x19: {  	s7 =	sld [smem:$0x3F90]  }
0x1a: {  	s8 =	sadd.s32 $0xFFFFE003, lr  }
0x1b: {  	s9 =	sadd.s32 $0xFFFFFEF7, lr;
	s5 =	simm.s32 $0xFFFFFFFF;
	p2 =	slt.u32 s8, $0xFFFFF086  }
0x1c: {  	p1 =	slt.u32 s9, $0xF7A;
	s5 =	simm.s32 @!p2 $0x0  }
0x1d: {  	s5 =	simm.s32 @p1 $0x1;
	p0 =	seq.s32 s7, s2  }
0x1e: {  	s7 =	smul.u32 @!p0 $0xF7A, s2;
	p2 =	seq.s32 @!p0 s5, $0x0  }
0x1f: {  	s9 =	smul.u32 $0xF7A, s1;
	s8 =	simm.s32 @!p0 $0x1BF5;
	p2 =	por !p2, p0  }
0x20: {  	[sflag:s8] =	ssyncset.s32 @!p0 $0xFFFFF086;
	s6 =	sadd.s32 @!p0 s3, s7;
	s7 =	simm.s32 @!p0 $0x108  }
0x21: {  	s3 =	sadd.s32 s3, s9;
	s6 =	sadd.s32 @!p0 $0x88, s6;
	s7 =	simm.s32 @p2 $0x1082  }
0x22: {  	[simem:s7], [sflag:s8] =	dma.local @!p0 [hbm:s6], $0xF7A  }
0x23: {  	s9 =	sor.u32 $0xD0000000, s2;
	s6 =	simm.s32 $0x108;
	_ =	swait.ge @!p0 [sflag:s8], $0x0  }
0x24: {  	s3 =	sadd.s32 $0x88, s3;
	s6 =	simm.s32 @!p1 $0x1082;
	[sflag:s4] =	ssyncset.s32 $0xFFFFF086  }
0x25: {  	[simem:s6], [sflag:s4] =	dma.local [hbm:s3], $0xF7A  }
0x26: {  	[smem:$0x3F90] =	sst s1;
	(tag) =	ssettag s2;
	_ =	strace s9  }
0x27: {  	s1 =	sld [smem:$0x3FA0]  }
0x28: {  	s2 =	sld [smem:$0x3FA1]  }
0x29: {  	s4 =	sld [smem:$0x3FA3]  }
0x2a: {  	p0 =	seq.s32 s5, $0x0;
	s5 =	sld [smem:$0x3FA4]  }
0x2b: {  	s6 =	sld [smem:$0x3FA5]  }
0x2c: {  	s7 =	sld [smem:$0x3FA6]  }
0x2d: {  	s3 =	simm.s32 $0x108;
	s8 =	sld [smem:$0x3FA7]  }
0x2e: {  	s3 =	simm.s32 @!p0 $0x1082;
	s9 =	sld [smem:$0x3FA8]  }
0x2f: {  	lr =	sadd.s32 s0, s3;
	s0 =	sld [smem:$0x3F9F]  }
0x30: {  	s3 =	sld [smem:$0x3FA2]  }
0x31: {  	[smem:$0x3FAB] =	sst s10  }
0x32: {  	s10 =	sld [smem:$0x3FA9];
	_ =	sdelay $0x3  }
0x33: {  	p0 =	seq.s32 s10, $0x1;
	s10 =	sld [smem:$0x3FAB];
	_ =	sdelay $0x3  }
0x34: {  	[smem:$0x3FAB] =	sst s10  }
0x35: {  	s10 =	sld [smem:$0x3FAA];
	_ =	sdelay $0x3  }
0x36: {  	p1 =	seq.s32 s10, $0x1;
	s10 =	sld [smem:$0x3FAB];
	_ =	sdelay $0x3  }
0x37: {  	[smem:$0x3FAB] =	sst s10  }
0x38: {  	s10 =	sld [smem:$0x3FAC]  }
0x39: {  	_ = 	snop;
	(pc) =	sbr.ind lr, $3  }
0x3a: {  	_ = 	snop  }
0x3b: {  	_ = 	snop  }
0x3c: {  	p2 =	seq.s32 s10, $0x1;
	s10 =	sld [smem:$0x3FAB]  }
0x3d: {  	_ =	shalt  }
0x3e: {  	_ =	shalt  }
0x3f: {  	_ =	shalt  }
0x40: {  	_ =	shalt  }
0x41: {  	_ =	shalt  }
0x42: {  	_ =	shalt  }
0x43: {  	_ =	shalt  }
0x44: {  	_ =	shalt  }
0x45: {  	_ =	shalt  }
0x46: {  	_ =	shalt  }
0x47: {  	_ =	shalt  }
0x48: {  	_ =	shalt  }
0x49: {  	_ =	shalt  }
0x4a: {  	_ =	shalt  }
0x4b: {  	_ =	shalt  }
0x4c: {  	_ =	shalt  }
0x4d: {  	_ =	shalt  }
0x4e: {  	_ =	shalt  }
0x4f: {  	_ =	shalt  }
0x50: {  	_ =	shalt  }
0x51: {  	_ =	shalt  }
0x52: {  	_ =	shalt  }
0x53: {  	_ =	shalt  }
0x54: {  	_ =	shalt  }
0x55: {  	_ =	shalt  }
0x56: {  	_ =	shalt  }
0x57: {  	_ =	shalt  }
0x58: {  	_ =	shalt  }
0x59: {  	_ =	shalt  }
0x5a: {  	_ =	shalt  }
0x5b: {  	_ =	shalt  }
0x5c: {  	_ =	shalt  }
0x5d: {  	_ =	shalt  }
0x5e: {  	_ =	shalt  }
0x5f: {  	_ =	shalt  }
0x60: {  	_ =	shalt  }
0x61: {  	_ =	shalt  }
0x62: {  	_ =	shalt  }
0x63: {  	_ =	shalt  }
0x64: {  	_ =	shalt  }
0x65: {  	_ =	shalt  }
0x66: {  	_ =	shalt  }
0x67: {  	_ =	shalt  }
0x68: {  	_ =	shalt  }
0x69: {  	_ =	shalt  }
0x6a: {  	_ =	shalt  }
0x6b: {  	_ =	shalt  }
0x6c: {  	_ =	shalt  }
0x6d: {  	_ =	shalt  }
0x6e: {  	_ =	shalt  }
0x6f: {  	_ =	shalt  }
0x70: {  	_ =	shalt  }
0x71: {  	_ =	shalt  }
0x72: {  	_ =	shalt  }
0x73: {  	_ =	shalt  }
0x74: {  	_ =	shalt  }
0x75: {  	_ =	shalt  }
0x76: {  	_ =	shalt  }
0x77: {  	_ =	shalt  }
0x78: {  	_ =	shalt  }
0x79: {  	_ =	shalt  }
0x7a: {  	_ =	shalt  }
0x7b: {  	_ =	shalt  }
0x7c: {  	_ =	shalt  }
0x7d: {  	_ =	shalt  }
0x7e: {  	_ =	shalt  }
0x7f: {  	_ =	shalt  }
0x80: {  	_ =	shalt  }
0x81: {  	_ =	shalt  }
0x82: {  	_ =	shalt  }
0x83: {  	_ =	shalt  }
0x84: {  	_ =	shalt  }
0x85: {  	_ =	shalt  }
0x86: {  	_ =	shalt  }
0x87: {  	_ =	shalt  }
.Lfunc_end0:
.L_simem_size_0:
called_computation.1_lowered:
.L_overlay_start_0:
0x88: {  	s2 =	sld [smem:$0x3FD9]  }
0x89: {  	s3 =	sld [smem:$0x3FFE];
	_ =	sdelay $0x1  }
0x8a: {  	s1 =	srdreg.scid  }
0x8b: {  	s0 =	sand.u32 $0x1, s1  }
0x8c: {  	s16 =	sshll.u32 s0, $0xA;
	s2 =	sadd.s32 s3, s2  }
0x8d: {  	s2 =	sadd.s32 s2, s16  }
0x8e: {  	[smem:$0x3FB7] =	sst s2  }
0x8f: {  	_ = 	snop  }
0x90: {  	(tm) =	ssettm $0x1  }
0x91: {  	s17 =	sld [smem:$0x3FFB];
	_ =	sdelay $0x3  }
0x92: {  	_ =	strace s17  }
0x93: {  	s2 =	sld [smem:$0x3FFC];
	_ =	sdelay $0x3  }
0x94: {  	_ =	strace s2  }
0x95: {  	s2 =	sld [smem:$0x3FFD];
	_ =	sdelay $0x3  }
0x96: {  	_ =	strace s2  }
0x97: {  	_ =	strace $0x8FFFFFFF  }
0x98: {  	s18 =	sld [smem:$0x3FDB];
	_ =	sdelay $0x1  }
0x99: {  	s19 =	simm.s32 $_scs_section_size  }
0x9a: {  	s4 =	simm.s32 $_size__tile_overlayer_lowered;
	s5 =	simm.s32 $_tile_overlayer_lowered  }
0x9b: {  	s22 =	simm.s32 $0x1BFF;
	s21 =	sshll.u32 s5, $0x1;
	s2 =	sadd.s32 s19, s18  }
0x9c: {  	s6 =	simm.s32 $0x0;
	s20 =	sshll.u32 s4, $0x1;
	s4 =	sadd.s32 s21, s2  }
0x9d: {  	[timem:s6], [sflag:s22] =	dma.local [hbm:s4], s20  }
0x9e: {  	_ =	swait.ge [sflag:s22], s20  }
0x9f: {  	s3 =	ssub.s32 $0x0, s20;
	[sflag:s22] =	ssyncset.done $0x0  }
0xa0: {  	[sflag:s22] =	ssyncadd.s32 s3;
	_ =	sdelay $0x1  }
0xa1: {  	s23 =	simm.s32 $0x1B8B  }
0xa2: {  	_ =	swait.ge [sflag:s23], $0x1  }
0xa3: {  	[sflag:s23] =	ssyncset.done $0x0  }
0xa4: {  	s25 =	simm.s32 $0x1B8E;
	s24 =	sld [smem:$0x3FFE];
	[sflag:s23] =	ssyncadd.s32 $0xFFFFFFFF  }
0xa5: {  	s26 =	simm.s32 $execute0_lowered;
	[smem:$0x3FD2] =	sst s25  }
0xa6: {  	s4 =	sshll.u32 s26, $0x1;
	_ =	strace $0x80000049;
	[dreg:$0x1] =	wrdreg $0xFFFFFFFF  }
0xa7: {  	s28 =	simm.s32 $_size_execute0_lowered;
	s2 =	sadd.s32 s2, s4;
	[dreg:$0x0] =	wrdreg $0x0  }
0xa8: {  	s4 =	sshll.u32 s28, $0x1;
	[dreg:$0x2] =	wrdreg s2  }
0xa9: {  	[dreg:$0x3] =	wrdreg s4  }
0xaa: {  	[dreg:$0x4] =	wrdreg $0xC0  }
0xab: {  	_ =	task [dreg:s6], $0x5FFFF  }
0xac: {  	[dreg:$0x1] =	wrdreg $0xFFFFFFFF  }
0xad: {  	[dreg:$0x0] =	wrdreg $0x60  }
0xae: {  	[dreg:$0x2] =	wrdreg s24  }
0xaf: {  	[dreg:$0x3] =	wrdreg $0x31000  }
0xb0: {  	[dreg:$0x4] =	wrdreg $0x9  }
0xb1: {  	_ =	task.clear_ibuf [dreg:s6], $0x5FFFF;
	_ =	strace $0x90000049  }
0xb2: {  	s29 =	simm.s32 $0x9;
	_ =	strace $0x8000004B  }
0xb3: {  	_ =	swait.ge [sflag:s29], $0x1  }
0xb4: {  	[sflag:s29] =	ssyncadd.s32 $0xFFFFFFFF  }
0xb5: {  	_ =	strace $0x9000004B  }
0xb6: {  	_ =	sfence  }
0xb7: {  	s30 =	sld [smem:$0x0];
	_ =	sdelay $0x2  }
0xb8: {  	s31 =	sshll.u32 s1, $0xD;
	s1 =	sshrl.u32 s1, $0x2  }
0xb9: {  	s3 =	sand.u32 $0x4000, s31;
	s1 =	sadd.s32 s1, s30  }
0xba: {  	s0 =	sor.u32 s3, s0;
	s1 =	sshll.u32 s1, $0x11  }
0xbb: {  	s0 =	sor.u32 s1, s0  }
0xbc: {  	s0 =	sadd.s32 $0x8F2B, s0  }
0xbd: {  	[sflag:s0] =	ssyncadd.remote.s32 $0x1  }
0xbe: {  	_ =	sfence.sel $0xFFFF  }
0xbf: {  	[dreg:$0x0] =	wrdreg $0xFFFFFFFF;
	(pc) =	sbr.abs _section_cstart, $3  }
0xc0: {  	[dreg:$0x1] =	wrdreg $0xFFFFFFFF  }
0xc1: {  	_ =	task.clear_ibuf [dreg:s6], $0x2FFFF;
	_ =	strace $0x9FFFFFFF  }
0xc2: {  	(tm) =	ssettm $0x7FFFFFFF  }
0xc3: {  	_ =	shalt  }
tec
execute0_lowered:
.L_overlay_start_1:
0x0: {  	(tag) =	ssettag $0x1  }
0x1: {  	s6 =	rddreg [dreg:$0x0]  }
0x2: {  	s0 =	srdreg.scid;
	s1 =	rddreg [dreg:$0x1]  }
0x3: {  	s12 =	stileid.u32;
	s2 =	simm.s32 $0x0;
	s17 =	simm.s32 $0x100  }
0x4: {  	s18 =	simm.s32 $0x1;
	s19 =	simm.s32 $0x0;
	s5 =	smul.u32 $0x2760, s12  }
0x5: {  	s4 =	sand.u32 $0x1, s0;
	s0 =	rddreg [dreg:$0x2];
	s7 =	smul.u32 $0x2700, s12  }
0x6: {  	[smem:$0x7FF] =	sst s2;
	s8 =	smul.u32 $0x4E000, s12;
	s10 =	sadd.s32 $0x65800, s6  }
0x7: {  	s31 =	sshll.u32 s12, $0x6;
	s16 =	sadd.s32 $0x138000, s1;
	s3 =	smul.u32 $0x27600, s4  }
0x8: {  	p0 =	sne.s32 s12, $0x0;
	_ =	strace $0x8000004A;
	s30 =	smul.u32 $0x138800, s4  }
0x9: {  	s28 =	ssub.s32 $0x2, s4;
	s15 =	smul.u32 $0x27100, s4;
	s9 =	sadd.s32 s7, s6  }
0xa: {  	s13 =	sshrl.u32 s28, $0x1;
	s29 =	sshrl.u32 s8, $0x2;
	s5 =	sadd.s32 s5, s3  }
0xb: {  	s3 =	sadd.s32 $0x3E600, s6;
	s13 =	ssub.s32 s28, s13;
	s14 =	sadd.s32 s29, s1  }
0xc: {  	s4 =	sadd.s32 $0x17400, s9;
	s8 =	sshrl.u32 s30, $0x3;
	s7 =	sadd.s32 s7, s15  }
0xd: {  	s15 =	simm.s32 $0x80;
	s5 =	sshrl.u32 s5, $0x3;
	s8 =	sadd.s32 s10, s8  }
0xe: {  	s7 =	sadd.s32 s10, s7;
	s9 =	smax.u32 s13, $0x1;
	s12 =	sshrl.u32 s14, $0x3  }
0xf: {  	s13 =	simm.s32 $0x2;
	s14 =	sshrl.u32 @!p0 s16, $0x3;
	s16 =	simm.s32 $0x60  }
0x10: {  	s11 =	sadd.s32 s5, s6;
	s5 =	sor.u32 $0x1C02, s31;
	s6 =	sadd.s32 $0x3E400, s6  }
0x11: {  	s8 =	sadd.s32 $0x27000, s8;
	s10 =	sadd.s32 $0xD600, s11;
	s11 =	sadd.s32 $0x3800, s11  }
.LBB2_1:
0x12: {  	[spmem:s12], [sflag:s5] =	dma.local [hbm:s4], $0x2700  }
0x13: {  	_ =	swait.ge [sflag:s13], $0x2700  }
0x14: {  	[sflag:s13] =	ssyncset.done $0x0  }
0x15: {  	s20 =	simm.s32 @!p0 $0x2;
	[sflag:s13] =	ssyncadd.s32 $0xFFFFD900  }
0x16: {  	[spmem:s14], [sflag:s5] =	dma.local @!p0 [hbm:s6], $0x100  }
0x17: {  	_ =	swait.ge @!p0 [sflag:s20], $0x100  }
0x18: {  	[sflag:s20] =	ssyncset.done @!p0 $0x0  }
0x19: {  	[sflag:s20] =	ssyncadd.s32 @!p0 $0xFFFFFF00  }
0x1a: {  	s30 =	sadd.s32 $0x0, s11;
	[bflag:$0x0] =	sbarrier.arrive $0xFFFF  }
0x1b: {  	[tilespmem:s2], [sflag:$0x2] =	stream.linear.gather [hbm4b:s30+s2], $0x60, $0x38;
	[tilespmem:$0x169C0] =	vst v63  }
0x1c: {  	_ =	swait.ge [sflag:s13], $0x60  }
0x1d: {  	[sflag:s13] =	ssyncset.done $0x0  }
0x1e: {  	s31 =	sadd.s32 $0x0, s10;
	[sflag:s13] =	ssyncadd.s32 $0xFFFFFFA0  }
0x1f: {  	[tilespmem:s15], [sflag:$0x2] =	stream.linear.gather [hbm4b:s31+s2], $0x60, $0x38;
	[tilespmem:$0x169C0] =	vst v63  }
0x20: {  	_ =	swait.ge [sflag:s13], $0x60  }
0x21: {  	[sflag:s13] =	ssyncset.done $0x0  }
0x22: {  	[sflag:s13] =	ssyncadd.s32 $0xFFFFFFA0  }
0x23: {  	[tilespmem:s17], [sflag:$0x1] =	stream.indirect.gather [hbm4b:s3+s16], $0x80, s2, s16, $0xb8;
	[tilespmem:$0x169C0] =	vst v63  }
0x24: {  	_ =	swait.ge [sflag:s18], $0x3000  }
0x25: {  	[sflag:s18] =	ssyncset.done $0x0  }
0x26: {  	[sflag:s18] =	ssyncadd.s32 $0xFFFFD000  }
0x27: {  	[spmem:s1] =	stream.indirect.scatter.add.f32 [tilespmem:s17], [sflag:$0x2], $0x80, s15, s16, $0xb8;
	[tilespmem:$0x169C0] =	vst v63  }
0x28: {  	_ =	swait.ge [sflag:s13], $0x3000  }
0x29: {  	s21 =	simm.s32 $0x18;
	s20 =	simm.s32 $0xC;
	[sflag:s13] =	ssyncset.done $0x0  }
.LBB2_2:
0x2a: {  	s22 =	sadd.s32 s20, s11  }
0x2b: {  	[sflag:s13] =	ssyncadd.s32 $0xFFFFD000;
	s23 =	smov.u32 s21;
	s24 =	sadd.s32 $0xC, s21  }
0x2c: {  	[tilespmem:s2], [sflag:$0x2] =	stream.linear.gather [hbm4b:s22+s2], $0x60, $0x38;
	[tilespmem:$0x169C0] =	vst v63  }
0x2d: {  	p1 =	sne.s32 s21, $0x4E0;
	_ =	swait.ge [sflag:s13], $0x60  }
0x2e: {  	[sflag:s13] =	ssyncset.done $0x0  }
0x2f: {  	s21 =	sadd.s32 s20, s10;
	s20 =	smov.u32 s23;
	[sflag:s13] =	ssyncadd.s32 $0xFFFFFFA0  }
0x30: {  	[tilespmem:s15], [sflag:$0x2] =	stream.linear.gather [hbm4b:s21+s2], $0x60, $0x38;
	[tilespmem:$0x169C0] =	vst v63  }
0x31: {  	_ =	swait.ge [sflag:s13], $0x60  }
0x32: {  	[sflag:s13] =	ssyncset.done $0x0  }
0x33: {  	[sflag:s13] =	ssyncadd.s32 $0xFFFFFFA0  }
0x34: {  	[tilespmem:s17], [sflag:$0x1] =	stream.indirect.gather [hbm4b:s3+s16], $0x80, s2, s16, $0xb8;
	[tilespmem:$0x169C0] =	vst v63  }
0x35: {  	_ =	swait.ge [sflag:s18], $0x3000  }
.Ltmp0:
0x36: {  	[sflag:s18] =	ssyncset.done $0x0;
	(pc) =	sbr.rel @p1 .LBB2_2-.Ltmp0, $4  }
0x37: {  	[sflag:s18] =	ssyncadd.s32 $0xFFFFD000  }
0x38: {  	[spmem:s1] =	stream.indirect.scatter.add.f32 [tilespmem:s17], [sflag:$0x2], $0x80, s15, s16, $0xb8;
	[tilespmem:$0x169C0] =	vst v63  }
0x39: {  	_ =	swait.ge [sflag:s13], $0x3000  }
0x3a: {  	s21 =	smov.u32 s24;
	[sflag:s13] =	ssyncset.done $0x0  }
0x3b: {  	s21 =	sadd.s32 s20, s11;
	[sflag:s13] =	ssyncadd.s32 $0xFFFFD000  }
0x3c: {  	[tilespmem:s2], [sflag:$0x2] =	stream.linear.gather [hbm4b:s21+s2], $0x60, $0x38;
	[tilespmem:$0x169C0] =	vst v63  }
0x3d: {  	_ =	swait.ge [sflag:s13], $0x60  }
0x3e: {  	[sflag:s13] =	ssyncset.done $0x0  }
0x3f: {  	s31 =	sadd.s32 s20, s10;
	[sflag:s13] =	ssyncadd.s32 $0xFFFFFFA0  }
0x40: {  	[tilespmem:s15], [sflag:$0x2] =	stream.linear.gather [hbm4b:s31+s2], $0x60, $0x38;
	[tilespmem:$0x169C0] =	vst v63  }
0x41: {  	_ =	swait.ge [sflag:s13], $0x60  }
0x42: {  	[sflag:s13] =	ssyncset.done $0x0  }
0x43: {  	[sflag:s13] =	ssyncadd.s32 $0xFFFFFFA0  }
0x44: {  	[tilespmem:s17], [sflag:$0x1] =	stream.indirect.gather [hbm4b:s3+s16], $0x80, s2, s16, $0xb8;
	[tilespmem:$0x169C0] =	vst v63  }
0x45: {  	_ =	swait.ge [sflag:s18], $0x3000  }
0x46: {  	[sflag:s18] =	ssyncset.done $0x0  }
0x47: {  	[sflag:s18] =	ssyncadd.s32 $0xFFFFD000  }
0x48: {  	[spmem:s1] =	stream.indirect.scatter.add.f32 [tilespmem:s17], [sflag:$0x2], $0x80, s15, s16, $0xb8;
	[tilespmem:$0x169C0] =	vst v63  }
0x49: {  	_ =	swait.ge [sflag:s13], $0x3000  }
0x4a: {  	[sflag:s13] =	ssyncset.done $0x0  }
0x4b: {  	[sflag:s13] =	ssyncadd.s32 $0xFFFFD000  }
0x4c: {  	[bflag:$0x0] =	sbarrier.arrive $0xFFFF  }
0x4d: {  	[hbm:s7], [sflag:s5] =	dma.local [spmem:s12], $0x2700  }
0x4e: {  	s19 =	sadd.s32 $0x1, s19;
	_ =	swait.ge [sflag:s13], $0x2700  }
0x4f: {  	p1 =	sne.s32 s19, s9;
	[sflag:s13] =	ssyncset.done $0x0  }
.Ltmp1:
0x50: {  	s20 =	simm.s32 @!p0 $0x2;
	[sflag:s13] =	ssyncadd.s32 $0xFFFFD900;
	(pc) =	sbr.rel @p1 .LBB2_1-.Ltmp1, $4  }
0x51: {  	[hbm:s8], [sflag:s5] =	dma.local @!p0 [spmem:s14], $0x100  }
0x52: {  	_ =	swait.ge @!p0 [sflag:s20], $0x100  }
0x53: {  	[sflag:s20] =	ssyncset.done @!p0 $0x0  }
0x54: {  	[sflag:s20] =	ssyncadd.s32 @!p0 $0xFFFFFF00  }
0x55: {  	_ =	sfence.sel $0x180000  }
0x56: {  	[bflag:$0x0] =	sbarrier.arrive $0xFFFF  }
0x57: {  	_ =	strace $0x9000004A  }
0x58: {  	s0 =	sadd.s32 @!p0 $0x100000, s0;
	[bflag:$0x2] =	sbarrier.arrive $0xFFFF  }
0x59: {  	[sflag:s0] =	ssyncadd.tile.s32 @!p0 $0x1;
	_ =	shalt  }
.Lfunc_end2:
_tile_overlayer_lowered:
.L_overlay_start_2:
0x5a: {  	(tag) =	ssettag $0x2  }
0x5b: {  	s0 =	rddreg [dreg:$0x0];
	s2 =	stileid.u32  }
0x5c: {  	s1 =	rddreg [dreg:$0x1];
	p0 =	sne.s32 s2, $0x0  }
0x5d: {  	s3 =	rddreg [dreg:$0x2];
	[bflag:$0x3] =	sbarrier.arrive $0xFFFF;
	s2 =	simm.s32 @!p0 $0x1C02  }
0x5e: {  	[timem:s3], [sflag:s2] =	dma.local @!p0 [hbm:s0], s1  }
0x5f: {  	s0 =	simm.s32 @!p0 $0x2  }
0x60: {  	_ =	swait.ge @!p0 [sflag:s0], s1  }
0x61: {  	s1 =	ssub.s32 @!p0 $0x0, s1;
	[sflag:s0] =	ssyncset.done @!p0 $0x0  }
0x62: {  	[sflag:s0] =	ssyncadd.s32 @!p0 s1  }
0x63: {  	[bflag:$0x3] =	sbarrier.arrive $0xFFFF  }
0x64: {  	_ =	shalt  }

// kernel: kernel.14.cloned.1.call-start
scs
__scs_entry_jumppad:
0x0: {  	(pc) =	sbr.rel $0x88, $3  }
0x1: {  	(tag) =	ssettag $0x0;
	lr =	simm.s32 $0x1  }
0x2: {  	[smem:$0x3F90] =	sst lr;
	_ =	strace $0xD0000000  }
0x3: {  	_ = 	snop  }
0x4: {  	_ = 	snop  }
0x5: {  	_ = 	snop  }
0x6: {  	_ = 	snop  }
0x7: {  	_ = 	snop  }
__scs_overlays_trampoline_lowered:
0x8: {  	[smem:$0x3F9F] =	sst s0  }
0x9: {  	[smem:$0x3FA0] =	sst s1  }
0xa: {  	[smem:$0x3FA1] =	sst s2  }
0xb: {  	[smem:$0x3FA2] =	sst s3  }
0xc: {  	[smem:$0x3FA3] =	sst s4  }
0xd: {  	[smem:$0x3FA4] =	sst s5  }
0xe: {  	[smem:$0x3FA5] =	sst s6  }
0xf: {  	[smem:$0x3FA6] =	sst s7  }
0x10: {  	[smem:$0x3FA7] =	sst s8  }
0x11: {  	[smem:$0x3FA8] =	sst s9;
	s0 =	simm.s32 @!p0 $0x0  }
0x12: {  	s1 =	sld [smem:$0x3F8E];
	s0 =	simm.s32 @p0 $0x1  }
0x13: {  	[smem:$0x3FA9] =	sst s0;
	s0 =	simm.s32 @!p1 $0x0  }
0x14: {  	s2 =	sld [smem:$0x3F8D];
	s0 =	simm.s32 @p1 $0x1  }
0x15: {  	[smem:$0x3FAA] =	sst s0;
	s0 =	simm.s32 @!p2 $0x0  }
0x16: {  	s3 =	sld [smem:$0x3FDB];
	s0 =	simm.s32 @p2 $0x1  }
0x17: {  	s4 =	simm.s32 $0x1BF5;
	[smem:$0x3FAC] =	sst s0  }
0x18: {  	s0 =	sld [smem:$0x3F8F];
	_ =	swait.ge [sflag:s4], $0x0  }
0x19: {  	s7 =	sld [smem:$0x3F90]  }
0x1a: {  	s8 =	sadd.s32 $0xFFFFE003, lr  }
0x1b: {  	s9 =	sadd.s32 $0xFFFFFEF7, lr;
	s5 =	simm.s32 $0xFFFFFFFF;
	p2 =	slt.u32 s8, $0xFFFFF086  }
0x1c: {  	p1 =	slt.u32 s9, $0xF7A;
	s5 =	simm.s32 @!p2 $0x0  }
0x1d: {  	s5 =	simm.s32 @p1 $0x1;
	p0 =	seq.s32 s7, s2  }
0x1e: {  	s7 =	smul.u32 @!p0 $0xF7A, s2;
	p2 =	seq.s32 @!p0 s5, $0x0  }
0x1f: {  	s9 =	smul.u32 $0xF7A, s1;
	s8 =	simm.s32 @!p0 $0x1BF5;
	p2 =	por !p2, p0  }
0x20: {  	[sflag:s8] =	ssyncset.s32 @!p0 $0xFFFFF086;
	s6 =	sadd.s32 @!p0 s3, s7;
	s7 =	simm.s32 @!p0 $0x108  }
0x21: {  	s3 =	sadd.s32 s3, s9;
	s6 =	sadd.s32 @!p0 $0x88, s6;
	s7 =	simm.s32 @p2 $0x1082  }
0x22: {  	[simem:s7], [sflag:s8] =	dma.local @!p0 [hbm:s6], $0xF7A  }
0x23: {  	s9 =	sor.u32 $0xD0000000, s2;
	s6 =	simm.s32 $0x108;
	_ =	swait.ge @!p0 [sflag:s8], $0x0  }
0x24: {  	s3 =	sadd.s32 $0x88, s3;
	s6 =	simm.s32 @!p1 $0x1082;
	[sflag:s4] =	ssyncset.s32 $0xFFFFF086  }
0x25: {  	[simem:s6], [sflag:s4] =	dma.local [hbm:s3], $0xF7A  }
0x26: {  	[smem:$0x3F90] =	sst s1;
	(tag) =	ssettag s2;
	_ =	strace s9  }
0x27: {  	s1 =	sld [smem:$0x3FA0]  }
0x28: {  	s2 =	sld [smem:$0x3FA1]  }
0x29: {  	s4 =	sld [smem:$0x3FA3]  }
0x2a: {  	p0 =	seq.s32 s5, $0x0;
	s5 =	sld [smem:$0x3FA4]  }
0x2b: {  	s6 =	sld [smem:$0x3FA5]  }
0x2c: {  	s7 =	sld [smem:$0x3FA6]  }
0x2d: {  	s3 =	simm.s32 $0x108;
	s8 =	sld [smem:$0x3FA7]  }
0x2e: {  	s3 =	simm.s32 @!p0 $0x1082;
	s9 =	sld [smem:$0x3FA8]  }
0x2f: {  	lr =	sadd.s32 s0, s3;
	s0 =	sld [smem:$0x3F9F]  }
0x30: {  	s3 =	sld [smem:$0x3FA2]  }
0x31: {  	[smem:$0x3FAB] =	sst s10  }
0x32: {  	s10 =	sld [smem:$0x3FA9];
	_ =	sdelay $0x3  }
0x33: {  	p0 =	seq.s32 s10, $0x1;
	s10 =	sld [smem:$0x3FAB];
	_ =	sdelay $0x3  }
0x34: {  	[smem:$0x3FAB] =	sst s10  }
0x35: {  	s10 =	sld [smem:$0x3FAA];
	_ =	sdelay $0x3  }
0x36: {  	p1 =	seq.s32 s10, $0x1;
	s10 =	sld [smem:$0x3FAB];
	_ =	sdelay $0x3  }
0x37: {  	[smem:$0x3FAB] =	sst s10  }
0x38: {  	s10 =	sld [smem:$0x3FAC]  }
0x39: {  	_ = 	snop;
	(pc) =	sbr.ind lr, $3  }
0x3a: {  	_ = 	snop  }
0x3b: {  	_ = 	snop  }
0x3c: {  	p2 =	seq.s32 s10, $0x1;
	s10 =	sld [smem:$0x3FAB]  }
0x3d: {  	_ =	shalt  }
0x3e: {  	_ =	shalt  }
0x3f: {  	_ =	shalt  }
0x40: {  	_ =	shalt  }
0x41: {  	_ =	shalt  }
0x42: {  	_ =	shalt  }
0x43: {  	_ =	shalt  }
0x44: {  	_ =	shalt  }
0x45: {  	_ =	shalt  }
0x46: {  	_ =	shalt  }
0x47: {  	_ =	shalt  }
0x48: {  	_ =	shalt  }
0x49: {  	_ =	shalt  }
0x4a: {  	_ =	shalt  }
0x4b: {  	_ =	shalt  }
0x4c: {  	_ =	shalt  }
0x4d: {  	_ =	shalt  }
0x4e: {  	_ =	shalt  }
0x4f: {  	_ =	shalt  }
0x50: {  	_ =	shalt  }
0x51: {  	_ =	shalt  }
0x52: {  	_ =	shalt  }
0x53: {  	_ =	shalt  }
0x54: {  	_ =	shalt  }
0x55: {  	_ =	shalt  }
0x56: {  	_ =	shalt  }
0x57: {  	_ =	shalt  }
0x58: {  	_ =	shalt  }
0x59: {  	_ =	shalt  }
0x5a: {  	_ =	shalt  }
0x5b: {  	_ =	shalt  }
0x5c: {  	_ =	shalt  }
0x5d: {  	_ =	shalt  }
0x5e: {  	_ =	shalt  }
0x5f: {  	_ =	shalt  }
0x60: {  	_ =	shalt  }
0x61: {  	_ =	shalt  }
0x62: {  	_ =	shalt  }
0x63: {  	_ =	shalt  }
0x64: {  	_ =	shalt  }
0x65: {  	_ =	shalt  }
0x66: {  	_ =	shalt  }
0x67: {  	_ =	shalt  }
0x68: {  	_ =	shalt  }
0x69: {  	_ =	shalt  }
0x6a: {  	_ =	shalt  }
0x6b: {  	_ =	shalt  }
0x6c: {  	_ =	shalt  }
0x6d: {  	_ =	shalt  }
0x6e: {  	_ =	shalt  }
0x6f: {  	_ =	shalt  }
0x70: {  	_ =	shalt  }
0x71: {  	_ =	shalt  }
0x72: {  	_ =	shalt  }
0x73: {  	_ =	shalt  }
0x74: {  	_ =	shalt  }
0x75: {  	_ =	shalt  }
0x76: {  	_ =	shalt  }
0x77: {  	_ =	shalt  }
0x78: {  	_ =	shalt  }
0x79: {  	_ =	shalt  }
0x7a: {  	_ =	shalt  }
0x7b: {  	_ =	shalt  }
0x7c: {  	_ =	shalt  }
0x7d: {  	_ =	shalt  }
0x7e: {  	_ =	shalt  }
0x7f: {  	_ =	shalt  }
0x80: {  	_ =	shalt  }
0x81: {  	_ =	shalt  }
0x82: {  	_ =	shalt  }
0x83: {  	_ =	shalt  }
0x84: {  	_ =	shalt  }
0x85: {  	_ =	shalt  }
0x86: {  	_ =	shalt  }
0x87: {  	_ =	shalt  }
.Lfunc_end0:
.L_simem_size_0:
called_computation.2_lowered:
.L_overlay_start_0:
0x88: {  	s2 =	sld [smem:$0x3FD9]  }
0x89: {  	s3 =	sld [smem:$0x3FFE];
	_ =	sdelay $0x1  }
0x8a: {  	s1 =	srdreg.scid  }
0x8b: {  	s0 =	sand.u32 $0x1, s1  }
0x8c: {  	s16 =	sshll.u32 s0, $0xA;
	s2 =	sadd.s32 s3, s2  }
0x8d: {  	s2 =	sadd.s32 s2, s16  }
0x8e: {  	[smem:$0x3FB7] =	sst s2  }
0x8f: {  	_ = 	snop  }
0x90: {  	(tm) =	ssettm $0x1  }
0x91: {  	s17 =	sld [smem:$0x3FFB];
	_ =	sdelay $0x3  }
0x92: {  	_ =	strace s17  }
0x93: {  	s2 =	sld [smem:$0x3FFC];
	_ =	sdelay $0x3  }
0x94: {  	_ =	strace s2  }
0x95: {  	s2 =	sld [smem:$0x3FFD];
	_ =	sdelay $0x3  }
0x96: {  	_ =	strace s2  }
0x97: {  	_ =	strace $0x8FFFFFFF  }
0x98: {  	s18 =	sld [smem:$0x3FDB];
	_ =	sdelay $0x1  }
0x99: {  	s19 =	simm.s32 $_scs_section_size  }
0x9a: {  	s4 =	simm.s32 $_size__tile_overlayer_lowered;
	s5 =	simm.s32 $_tile_overlayer_lowered  }
0x9b: {  	s22 =	simm.s32 $0x1BFF;
	s21 =	sshll.u32 s5, $0x1;
	s2 =	sadd.s32 s19, s18  }
0x9c: {  	s6 =	simm.s32 $0x0;
	s20 =	sshll.u32 s4, $0x1;
	s4 =	sadd.s32 s21, s2  }
0x9d: {  	[timem:s6], [sflag:s22] =	dma.local [hbm:s4], s20  }
0x9e: {  	_ =	swait.ge [sflag:s22], s20  }
0x9f: {  	s3 =	ssub.s32 $0x0, s20;
	[sflag:s22] =	ssyncset.done $0x0  }
0xa0: {  	[sflag:s22] =	ssyncadd.s32 s3;
	_ =	sdelay $0x1  }
0xa1: {  	s23 =	simm.s32 $0x1B8B  }
0xa2: {  	_ =	swait.ge [sflag:s23], $0x1  }
0xa3: {  	[sflag:s23] =	ssyncset.done $0x0  }
0xa4: {  	s25 =	simm.s32 $0x1B8E;
	s24 =	sld [smem:$0x3FFE];
	[sflag:s23] =	ssyncadd.s32 $0xFFFFFFFF  }
0xa5: {  	s26 =	simm.s32 $execute0_lowered;
	[smem:$0x3FD2] =	sst s25  }
0xa6: {  	s4 =	sshll.u32 s26, $0x1;
	_ =	strace $0x8000004C;
	[dreg:$0x1] =	wrdreg $0xFFFFFFFF  }
0xa7: {  	s28 =	simm.s32 $_size_execute0_lowered;
	s2 =	sadd.s32 s2, s4;
	[dreg:$0x0] =	wrdreg $0x0  }
0xa8: {  	s4 =	sshll.u32 s28, $0x1;
	[dreg:$0x2] =	wrdreg s2  }
0xa9: {  	[dreg:$0x3] =	wrdreg s4  }
0xaa: {  	[dreg:$0x4] =	wrdreg $0xC0  }
0xab: {  	_ =	task [dreg:s6], $0x5FFFF  }
0xac: {  	[dreg:$0x1] =	wrdreg $0xFFFFFFFF  }
0xad: {  	[dreg:$0x0] =	wrdreg $0x60  }
0xae: {  	[dreg:$0x2] =	wrdreg s24  }
0xaf: {  	[dreg:$0x3] =	wrdreg $0x31000  }
0xb0: {  	[dreg:$0x4] =	wrdreg $0x9  }
0xb1: {  	_ =	task.clear_ibuf [dreg:s6], $0x5FFFF;
	_ =	strace $0x9000004C  }
0xb2: {  	s29 =	simm.s32 $0x9;
	_ =	strace $0x8000004E  }
0xb3: {  	_ =	swait.ge [sflag:s29], $0x1  }
0xb4: {  	[sflag:s29] =	ssyncadd.s32 $0xFFFFFFFF  }
0xb5: {  	_ =	strace $0x9000004E  }
0xb6: {  	_ =	sfence  }
0xb7: {  	s30 =	sld [smem:$0x0];
	_ =	sdelay $0x2  }
0xb8: {  	s31 =	sshll.u32 s1, $0xD;
	s1 =	sshrl.u32 s1, $0x2  }
0xb9: {  	s3 =	sand.u32 $0x4000, s31;
	s1 =	sadd.s32 s1, s30  }
0xba: {  	s0 =	sor.u32 s3, s0;
	s1 =	sshll.u32 s1, $0x11  }
0xbb: {  	s0 =	sor.u32 s1, s0  }
0xbc: {  	s0 =	sadd.s32 $0x8F2B, s0  }
0xbd: {  	[sflag:s0] =	ssyncadd.remote.s32 $0x1  }
0xbe: {  	_ =	sfence.sel $0xFFFF  }
0xbf: {  	[dreg:$0x0] =	wrdreg $0xFFFFFFFF;
	(pc) =	sbr.abs _section_cstart, $3  }
0xc0: {  	[dreg:$0x1] =	wrdreg $0xFFFFFFFF  }
0xc1: {  	_ =	task.clear_ibuf [dreg:s6], $0x2FFFF;
	_ =	strace $0x9FFFFFFF  }
0xc2: {  	(tm) =	ssettm $0x7FFFFFFF  }
0xc3: {  	_ =	shalt  }
tec
execute0_lowered:
.L_overlay_start_1:
0x0: {  	(tag) =	ssettag $0x1  }
0x1: {  	s6 =	rddreg [dreg:$0x0]  }
0x2: {  	s0 =	srdreg.scid;
	s1 =	rddreg [dreg:$0x1]  }
0x3: {  	s12 =	stileid.u32;
	s2 =	simm.s32 $0x0;
	s17 =	simm.s32 $0x100  }
0x4: {  	s18 =	simm.s32 $0x1;
	s19 =	simm.s32 $0x0;
	s5 =	smul.u32 $0x2760, s12  }
0x5: {  	s4 =	sand.u32 $0x1, s0;
	s0 =	rddreg [dreg:$0x2];
	s7 =	smul.u32 $0x2700, s12  }
0x6: {  	[smem:$0x7FF] =	sst s2;
	s8 =	smul.u32 $0x4E000, s12;
	s10 =	sadd.s32 $0x65800, s6  }
0x7: {  	s31 =	sshll.u32 s12, $0x6;
	s16 =	sadd.s32 $0x138000, s1;
	s3 =	smul.u32 $0x27600, s4  }
0x8: {  	p0 =	sne.s32 s12, $0x0;
	_ =	strace $0x8000004D;
	s30 =	smul.u32 $0x138800, s4  }
0x9: {  	s28 =	ssub.s32 $0x2, s4;
	s15 =	smul.u32 $0x27100, s4;
	s9 =	sadd.s32 s7, s6  }
0xa: {  	s13 =	sshrl.u32 s28, $0x1;
	s29 =	sshrl.u32 s8, $0x2;
	s5 =	sadd.s32 s5, s3  }
0xb: {  	s3 =	sadd.s32 $0x3E600, s6;
	s13 =	ssub.s32 s28, s13;
	s14 =	sadd.s32 s29, s1  }
0xc: {  	s4 =	sadd.s32 $0x17400, s9;
	s8 =	sshrl.u32 s30, $0x3;
	s7 =	sadd.s32 s7, s15  }
0xd: {  	s15 =	simm.s32 $0x80;
	s5 =	sshrl.u32 s5, $0x3;
	s8 =	sadd.s32 s10, s8  }
0xe: {  	s7 =	sadd.s32 s10, s7;
	s9 =	smax.u32 s13, $0x1;
	s12 =	sshrl.u32 s14, $0x3  }
0xf: {  	s13 =	simm.s32 $0x2;
	s14 =	sshrl.u32 @!p0 s16, $0x3;
	s16 =	simm.s32 $0x60  }
0x10: {  	s11 =	sadd.s32 s5, s6;
	s5 =	sor.u32 $0x1C02, s31;
	s6 =	sadd.s32 $0x3E400, s6  }
0x11: {  	s8 =	sadd.s32 $0x27000, s8;
	s10 =	sadd.s32 $0xD600, s11;
	s11 =	sadd.s32 $0x3800, s11  }
.LBB2_1:
0x12: {  	[spmem:s12], [sflag:s5] =	dma.local [hbm:s4], $0x2700  }
0x13: {  	_ =	swait.ge [sflag:s13], $0x2700  }
0x14: {  	[sflag:s13] =	ssyncset.done $0x0  }
0x15: {  	s20 =	simm.s32 @!p0 $0x2;
	[sflag:s13] =	ssyncadd.s32 $0xFFFFD900  }
0x16: {  	[spmem:s14], [sflag:s5] =	dma.local @!p0 [hbm:s6], $0x100  }
0x17: {  	_ =	swait.ge @!p0 [sflag:s20], $0x100  }
0x18: {  	[sflag:s20] =	ssyncset.done @!p0 $0x0  }
0x19: {  	[sflag:s20] =	ssyncadd.s32 @!p0 $0xFFFFFF00  }
0x1a: {  	s30 =	sadd.s32 $0x0, s11;
	[bflag:$0x0] =	sbarrier.arrive $0xFFFF  }
0x1b: {  	[tilespmem:s2], [sflag:$0x2] =	stream.linear.gather [hbm4b:s30+s2], $0x60, $0x38;
	[tilespmem:$0x169C0] =	vst v63  }
0x1c: {  	_ =	swait.ge [sflag:s13], $0x60  }
0x1d: {  	[sflag:s13] =	ssyncset.done $0x0  }
0x1e: {  	s31 =	sadd.s32 $0x0, s10;
	[sflag:s13] =	ssyncadd.s32 $0xFFFFFFA0  }
0x1f: {  	[tilespmem:s15], [sflag:$0x2] =	stream.linear.gather [hbm4b:s31+s2], $0x60, $0x38;
	[tilespmem:$0x169C0] =	vst v63  }
0x20: {  	_ =	swait.ge [sflag:s13], $0x60  }
0x21: {  	[sflag:s13] =	ssyncset.done $0x0  }
0x22: {  	[sflag:s13] =	ssyncadd.s32 $0xFFFFFFA0  }
0x23: {  	[tilespmem:s17], [sflag:$0x1] =	stream.indirect.gather [hbm4b:s3+s16], $0x80, s2, s16, $0xb8;
	[tilespmem:$0x169C0] =	vst v63  }
0x24: {  	_ =	swait.ge [sflag:s18], $0x3000  }
0x25: {  	[sflag:s18] =	ssyncset.done $0x0  }
0x26: {  	[sflag:s18] =	ssyncadd.s32 $0xFFFFD000  }
0x27: {  	[spmem:s1] =	stream.indirect.scatter.add.f32 [tilespmem:s17], [sflag:$0x2], $0x80, s15, s16, $0xb8;
	[tilespmem:$0x169C0] =	vst v63  }
0x28: {  	_ =	swait.ge [sflag:s13], $0x3000  }
0x29: {  	s21 =	simm.s32 $0x18;
	s20 =	simm.s32 $0xC;
	[sflag:s13] =	ssyncset.done $0x0  }
.LBB2_2:
0x2a: {  	s22 =	sadd.s32 s20, s11  }
0x2b: {  	[sflag:s13] =	ssyncadd.s32 $0xFFFFD000;
	s23 =	smov.u32 s21;
	s24 =	sadd.s32 $0xC, s21  }
0x2c: {  	[tilespmem:s2], [sflag:$0x2] =	stream.linear.gather [hbm4b:s22+s2], $0x60, $0x38;
	[tilespmem:$0x169C0] =	vst v63  }
0x2d: {  	p1 =	sne.s32 s21, $0x4E0;
	_ =	swait.ge [sflag:s13], $0x60  }
0x2e: {  	[sflag:s13] =	ssyncset.done $0x0  }
0x2f: {  	s21 =	sadd.s32 s20, s10;
	s20 =	smov.u32 s23;
	[sflag:s13] =	ssyncadd.s32 $0xFFFFFFA0  }
0x30: {  	[tilespmem:s15], [sflag:$0x2] =	stream.linear.gather [hbm4b:s21+s2], $0x60, $0x38;
	[tilespmem:$0x169C0] =	vst v63  }
0x31: {  	_ =	swait.ge [sflag:s13], $0x60  }
0x32: {  	[sflag:s13] =	ssyncset.done $0x0  }
0x33: {  	[sflag:s13] =	ssyncadd.s32 $0xFFFFFFA0  }
0x34: {  	[tilespmem:s17], [sflag:$0x1] =	stream.indirect.gather [hbm4b:s3+s16], $0x80, s2, s16, $0xb8;
	[tilespmem:$0x169C0] =	vst v63  }
0x35: {  	_ =	swait.ge [sflag:s18], $0x3000  }
.Ltmp0:
0x36: {  	[sflag:s18] =	ssyncset.done $0x0;
	(pc) =	sbr.rel @p1 .LBB2_2-.Ltmp0, $4  }
0x37: {  	[sflag:s18] =	ssyncadd.s32 $0xFFFFD000  }
0x38: {  	[spmem:s1] =	stream.indirect.scatter.add.f32 [tilespmem:s17], [sflag:$0x2], $0x80, s15, s16, $0xb8;
	[tilespmem:$0x169C0] =	vst v63  }
0x39: {  	_ =	swait.ge [sflag:s13], $0x3000  }
0x3a: {  	s21 =	smov.u32 s24;
	[sflag:s13] =	ssyncset.done $0x0  }
0x3b: {  	s21 =	sadd.s32 s20, s11;
	[sflag:s13] =	ssyncadd.s32 $0xFFFFD000  }
0x3c: {  	[tilespmem:s2], [sflag:$0x2] =	stream.linear.gather [hbm4b:s21+s2], $0x60, $0x38;
	[tilespmem:$0x169C0] =	vst v63  }
0x3d: {  	_ =	swait.ge [sflag:s13], $0x60  }
0x3e: {  	[sflag:s13] =	ssyncset.done $0x0  }
0x3f: {  	s31 =	sadd.s32 s20, s10;
	[sflag:s13] =	ssyncadd.s32 $0xFFFFFFA0  }
0x40: {  	[tilespmem:s15], [sflag:$0x2] =	stream.linear.gather [hbm4b:s31+s2], $0x60, $0x38;
	[tilespmem:$0x169C0] =	vst v63  }
0x41: {  	_ =	swait.ge [sflag:s13], $0x60  }
0x42: {  	[sflag:s13] =	ssyncset.done $0x0  }
0x43: {  	[sflag:s13] =	ssyncadd.s32 $0xFFFFFFA0  }
0x44: {  	[tilespmem:s17], [sflag:$0x1] =	stream.indirect.gather [hbm4b:s3+s16], $0x80, s2, s16, $0xb8;
	[tilespmem:$0x169C0] =	vst v63  }
0x45: {  	_ =	swait.ge [sflag:s18], $0x3000  }
0x46: {  	[sflag:s18] =	ssyncset.done $0x0  }
0x47: {  	[sflag:s18] =	ssyncadd.s32 $0xFFFFD000  }
0x48: {  	[spmem:s1] =	stream.indirect.scatter.add.f32 [tilespmem:s17], [sflag:$0x2], $0x80, s15, s16, $0xb8;
	[tilespmem:$0x169C0] =	vst v63  }
0x49: {  	_ =	swait.ge [sflag:s13], $0x3000  }
0x4a: {  	[sflag:s13] =	ssyncset.done $0x0  }
0x4b: {  	[sflag:s13] =	ssyncadd.s32 $0xFFFFD000  }
0x4c: {  	[bflag:$0x0] =	sbarrier.arrive $0xFFFF  }
0x4d: {  	[hbm:s7], [sflag:s5] =	dma.local [spmem:s12], $0x2700  }
0x4e: {  	s19 =	sadd.s32 $0x1, s19;
	_ =	swait.ge [sflag:s13], $0x2700  }
0x4f: {  	p1 =	sne.s32 s19, s9;
	[sflag:s13] =	ssyncset.done $0x0  }
.Ltmp1:
0x50: {  	s20 =	simm.s32 @!p0 $0x2;
	[sflag:s13] =	ssyncadd.s32 $0xFFFFD900;
	(pc) =	sbr.rel @p1 .LBB2_1-.Ltmp1, $4  }
0x51: {  	[hbm:s8], [sflag:s5] =	dma.local @!p0 [spmem:s14], $0x100  }
0x52: {  	_ =	swait.ge @!p0 [sflag:s20], $0x100  }
0x53: {  	[sflag:s20] =	ssyncset.done @!p0 $0x0  }
0x54: {  	[sflag:s20] =	ssyncadd.s32 @!p0 $0xFFFFFF00  }
0x55: {  	_ =	sfence.sel $0x180000  }
0x56: {  	[bflag:$0x0] =	sbarrier.arrive $0xFFFF  }
0x57: {  	_ =	strace $0x9000004D  }
0x58: {  	s0 =	sadd.s32 @!p0 $0x100000, s0;
	[bflag:$0x2] =	sbarrier.arrive $0xFFFF  }
0x59: {  	[sflag:s0] =	ssyncadd.tile.s32 @!p0 $0x1;
	_ =	shalt  }
.Lfunc_end2:
_tile_overlayer_lowered:
.L_overlay_start_2:
0x5a: {  	(tag) =	ssettag $0x2  }
0x5b: {  	s0 =	rddreg [dreg:$0x0];
	s2 =	stileid.u32  }
0x5c: {  	s1 =	rddreg [dreg:$0x1];
	p0 =	sne.s32 s2, $0x0  }
0x5d: {  	s3 =	rddreg [dreg:$0x2];
	[bflag:$0x3] =	sbarrier.arrive $0xFFFF;
	s2 =	simm.s32 @!p0 $0x1C02  }
0x5e: {  	[timem:s3], [sflag:s2] =	dma.local @!p0 [hbm:s0], s1  }
0x5f: {  	s0 =	simm.s32 @!p0 $0x2  }
0x60: {  	_ =	swait.ge @!p0 [sflag:s0], s1  }
0x61: {  	s1 =	ssub.s32 @!p0 $0x0, s1;
	[sflag:s0] =	ssyncset.done @!p0 $0x0  }
0x62: {  	[sflag:s0] =	ssyncadd.s32 @!p0 s1  }
0x63: {  	[bflag:$0x3] =	sbarrier.arrive $0xFFFF  }
0x64: {  	_ =	shalt  }

// kernel: kernel.8.cloned.1.call-start
scs
__scs_entry_jumppad:
0x0: {  	(pc) =	sbr.rel $0x88, $3  }
0x1: {  	(tag) =	ssettag $0x0;
	lr =	simm.s32 $0x1  }
0x2: {  	[smem:$0x3F90] =	sst lr;
	_ =	strace $0xD0000000  }
0x3: {  	_ = 	snop  }
0x4: {  	_ = 	snop  }
0x5: {  	_ = 	snop  }
0x6: {  	_ = 	snop  }
0x7: {  	_ = 	snop  }
__scs_overlays_trampoline_lowered:
0x8: {  	[smem:$0x3F9F] =	sst s0  }
0x9: {  	[smem:$0x3FA0] =	sst s1  }
0xa: {  	[smem:$0x3FA1] =	sst s2  }
0xb: {  	[smem:$0x3FA2] =	sst s3  }
0xc: {  	[smem:$0x3FA3] =	sst s4  }
0xd: {  	[smem:$0x3FA4] =	sst s5  }
0xe: {  	[smem:$0x3FA5] =	sst s6  }
0xf: {  	[smem:$0x3FA6] =	sst s7  }
0x10: {  	[smem:$0x3FA7] =	sst s8  }
0x11: {  	[smem:$0x3FA8] =	sst s9;
	s0 =	simm.s32 @!p0 $0x0  }
0x12: {  	s1 =	sld [smem:$0x3F8E];
	s0 =	simm.s32 @p0 $0x1  }
0x13: {  	[smem:$0x3FA9] =	sst s0;
	s0 =	simm.s32 @!p1 $0x0  }
0x14: {  	s2 =	sld [smem:$0x3F8D];
	s0 =	simm.s32 @p1 $0x1  }
0x15: {  	[smem:$0x3FAA] =	sst s0;
	s0 =	simm.s32 @!p2 $0x0  }
0x16: {  	s3 =	sld [smem:$0x3FDB];
	s0 =	simm.s32 @p2 $0x1  }
0x17: {  	s4 =	simm.s32 $0x1BF5;
	[smem:$0x3FAC] =	sst s0  }
0x18: {  	s0 =	sld [smem:$0x3F8F];
	_ =	swait.ge [sflag:s4], $0x0  }
0x19: {  	s7 =	sld [smem:$0x3F90]  }
0x1a: {  	s8 =	sadd.s32 $0xFFFFE003, lr  }
0x1b: {  	s9 =	sadd.s32 $0xFFFFFEF7, lr;
	s5 =	simm.s32 $0xFFFFFFFF;
	p2 =	slt.u32 s8, $0xFFFFF086  }
0x1c: {  	p1 =	slt.u32 s9, $0xF7A;
	s5 =	simm.s32 @!p2 $0x0  }
0x1d: {  	s5 =	simm.s32 @p1 $0x1;
	p0 =	seq.s32 s7, s2  }
0x1e: {  	s7 =	smul.u32 @!p0 $0xF7A, s2;
	p2 =	seq.s32 @!p0 s5, $0x0  }
0x1f: {  	s9 =	smul.u32 $0xF7A, s1;
	s8 =	simm.s32 @!p0 $0x1BF5;
	p2 =	por !p2, p0  }
0x20: {  	[sflag:s8] =	ssyncset.s32 @!p0 $0xFFFFF086;
	s6 =	sadd.s32 @!p0 s3, s7;
	s7 =	simm.s32 @!p0 $0x108  }
0x21: {  	s3 =	sadd.s32 s3, s9;
	s6 =	sadd.s32 @!p0 $0x88, s6;
	s7 =	simm.s32 @p2 $0x1082  }
0x22: {  	[simem:s7], [sflag:s8] =	dma.local @!p0 [hbm:s6], $0xF7A  }
0x23: {  	s9 =	sor.u32 $0xD0000000, s2;
	s6 =	simm.s32 $0x108;
	_ =	swait.ge @!p0 [sflag:s8], $0x0  }
0x24: {  	s3 =	sadd.s32 $0x88, s3;
	s6 =	simm.s32 @!p1 $0x1082;
	[sflag:s4] =	ssyncset.s32 $0xFFFFF086  }
0x25: {  	[simem:s6], [sflag:s4] =	dma.local [hbm:s3], $0xF7A  }
0x26: {  	[smem:$0x3F90] =	sst s1;
	(tag) =	ssettag s2;
	_ =	strace s9  }
0x27: {  	s1 =	sld [smem:$0x3FA0]  }
0x28: {  	s2 =	sld [smem:$0x3FA1]  }
0x29: {  	s4 =	sld [smem:$0x3FA3]  }
0x2a: {  	p0 =	seq.s32 s5, $0x0;
	s5 =	sld [smem:$0x3FA4]  }
0x2b: {  	s6 =	sld [smem:$0x3FA5]  }
0x2c: {  	s7 =	sld [smem:$0x3FA6]  }
0x2d: {  	s3 =	simm.s32 $0x108;
	s8 =	sld [smem:$0x3FA7]  }
0x2e: {  	s3 =	simm.s32 @!p0 $0x1082;
	s9 =	sld [smem:$0x3FA8]  }
0x2f: {  	lr =	sadd.s32 s0, s3;
	s0 =	sld [smem:$0x3F9F]  }
0x30: {  	s3 =	sld [smem:$0x3FA2]  }
0x31: {  	[smem:$0x3FAB] =	sst s10  }
0x32: {  	s10 =	sld [smem:$0x3FA9];
	_ =	sdelay $0x3  }
0x33: {  	p0 =	seq.s32 s10, $0x1;
	s10 =	sld [smem:$0x3FAB];
	_ =	sdelay $0x3  }
0x34: {  	[smem:$0x3FAB] =	sst s10  }
0x35: {  	s10 =	sld [smem:$0x3FAA];
	_ =	sdelay $0x3  }
0x36: {  	p1 =	seq.s32 s10, $0x1;
	s10 =	sld [smem:$0x3FAB];
	_ =	sdelay $0x3  }
0x37: {  	[smem:$0x3FAB] =	sst s10  }
0x38: {  	s10 =	sld [smem:$0x3FAC]  }
0x39: {  	_ = 	snop;
	(pc) =	sbr.ind lr, $3  }
0x3a: {  	_ = 	snop  }
0x3b: {  	_ = 	snop  }
0x3c: {  	p2 =	seq.s32 s10, $0x1;
	s10 =	sld [smem:$0x3FAB]  }
0x3d: {  	_ =	shalt  }
0x3e: {  	_ =	shalt  }
0x3f: {  	_ =	shalt  }
0x40: {  	_ =	shalt  }
0x41: {  	_ =	shalt  }
0x42: {  	_ =	shalt  }
0x43: {  	_ =	shalt  }
0x44: {  	_ =	shalt  }
0x45: {  	_ =	shalt  }
0x46: {  	_ =	shalt  }
0x47: {  	_ =	shalt  }
0x48: {  	_ =	shalt  }
0x49: {  	_ =	shalt  }
0x4a: {  	_ =	shalt  }
0x4b: {  	_ =	shalt  }
0x4c: {  	_ =	shalt  }
0x4d: {  	_ =	shalt  }
0x4e: {  	_ =	shalt  }
0x4f: {  	_ =	shalt  }
0x50: {  	_ =	shalt  }
0x51: {  	_ =	shalt  }
0x52: {  	_ =	shalt  }
0x53: {  	_ =	shalt  }
0x54: {  	_ =	shalt  }
0x55: {  	_ =	shalt  }
0x56: {  	_ =	shalt  }
0x57: {  	_ =	shalt  }
0x58: {  	_ =	shalt  }
0x59: {  	_ =	shalt  }
0x5a: {  	_ =	shalt  }
0x5b: {  	_ =	shalt  }
0x5c: {  	_ =	shalt  }
0x5d: {  	_ =	shalt  }
0x5e: {  	_ =	shalt  }
0x5f: {  	_ =	shalt  }
0x60: {  	_ =	shalt  }
0x61: {  	_ =	shalt  }
0x62: {  	_ =	shalt  }
0x63: {  	_ =	shalt  }
0x64: {  	_ =	shalt  }
0x65: {  	_ =	shalt  }
0x66: {  	_ =	shalt  }
0x67: {  	_ =	shalt  }
0x68: {  	_ =	shalt  }
0x69: {  	_ =	shalt  }
0x6a: {  	_ =	shalt  }
0x6b: {  	_ =	shalt  }
0x6c: {  	_ =	shalt  }
0x6d: {  	_ =	shalt  }
0x6e: {  	_ =	shalt  }
0x6f: {  	_ =	shalt  }
0x70: {  	_ =	shalt  }
0x71: {  	_ =	shalt  }
0x72: {  	_ =	shalt  }
0x73: {  	_ =	shalt  }
0x74: {  	_ =	shalt  }
0x75: {  	_ =	shalt  }
0x76: {  	_ =	shalt  }
0x77: {  	_ =	shalt  }
0x78: {  	_ =	shalt  }
0x79: {  	_ =	shalt  }
0x7a: {  	_ =	shalt  }
0x7b: {  	_ =	shalt  }
0x7c: {  	_ =	shalt  }
0x7d: {  	_ =	shalt  }
0x7e: {  	_ =	shalt  }
0x7f: {  	_ =	shalt  }
0x80: {  	_ =	shalt  }
0x81: {  	_ =	shalt  }
0x82: {  	_ =	shalt  }
0x83: {  	_ =	shalt  }
0x84: {  	_ =	shalt  }
0x85: {  	_ =	shalt  }
0x86: {  	_ =	shalt  }
0x87: {  	_ =	shalt  }
.Lfunc_end0:
.L_simem_size_0:
called_computation_lowered:
.L_overlay_start_0:
0x88: {  	s2 =	sld [smem:$0x3FD9]  }
0x89: {  	s3 =	sld [smem:$0x3FFE];
	_ =	sdelay $0x1  }
0x8a: {  	s1 =	srdreg.scid  }
0x8b: {  	s0 =	sand.u32 $0x1, s1  }
0x8c: {  	s17 =	sshll.u32 s0, $0xA;
	s2 =	sadd.s32 s3, s2  }
0x8d: {  	s2 =	sadd.s32 s2, s17  }
0x8e: {  	[smem:$0x3FB7] =	sst s2  }
0x8f: {  	_ = 	snop  }
0x90: {  	s2 =	sld [smem:$0x3FC9];
	(tm) =	ssettm $0x1  }
0x91: {  	s18 =	sld [smem:$0x3FFB];
	_ =	sdelay $0x3  }
0x92: {  	_ =	strace s18  }
0x93: {  	s3 =	sld [smem:$0x3FFC];
	_ =	sdelay $0x3  }
0x94: {  	_ =	strace s3  }
0x95: {  	s3 =	sld [smem:$0x3FFD];
	_ =	sdelay $0x3  }
0x96: {  	_ =	strace s3  }
0x97: {  	_ =	strace $0x8FFFFFFF  }
0x98: {  	s19 =	sld [smem:$0x3FDB];
	_ =	sdelay $0x1  }
0x99: {  	s4 =	simm.s32 $_scs_section_size  }
0x9a: {  	s5 =	simm.s32 $_size__tile_overlayer_lowered;
	s6 =	simm.s32 $_tile_overlayer_lowered  }
0x9b: {  	s22 =	simm.s32 $0x1BFF;
	s21 =	sshll.u32 s6, $0x1;
	s3 =	sadd.s32 s4, s19  }
0x9c: {  	s7 =	simm.s32 $0x0;
	s20 =	sshll.u32 s5, $0x1;
	s5 =	sadd.s32 s21, s3  }
0x9d: {  	[timem:s7], [sflag:s22] =	dma.local [hbm:s5], s20  }
0x9e: {  	_ =	swait.ge [sflag:s22], s20  }
0x9f: {  	s4 =	ssub.s32 $0x0, s20;
	[sflag:s22] =	ssyncset.done $0x0  }
0xa0: {  	[sflag:s22] =	ssyncadd.s32 s4;
	_ =	sdelay $0x1  }
0xa1: {  	s23 =	simm.s32 $0x1B8B  }
0xa2: {  	_ =	swait.ge [sflag:s23], $0x1  }
0xa3: {  	[sflag:s23] =	ssyncset.done $0x0  }
0xa4: {  	s25 =	simm.s32 $0x1B8E;
	s24 =	sld [smem:$0x3FFE];
	[sflag:s23] =	ssyncadd.s32 $0xFFFFFFFF  }
0xa5: {  	s26 =	simm.s32 $execute0_lowered;
	[smem:$0x3FD2] =	sst s25  }
0xa6: {  	s5 =	sshll.u32 s26, $0x1;
	_ =	strace $0x80000046;
	[dreg:$0x1] =	wrdreg $0xFFFFFFFF  }
0xa7: {  	s28 =	simm.s32 $_size_execute0_lowered;
	s3 =	sadd.s32 s3, s5;
	[dreg:$0x0] =	wrdreg $0x0  }
0xa8: {  	s5 =	sshll.u32 s28, $0x1;
	[dreg:$0x2] =	wrdreg s3  }
0xa9: {  	[dreg:$0x3] =	wrdreg s5  }
0xaa: {  	[dreg:$0x4] =	wrdreg $0xC0  }
0xab: {  	_ =	task [dreg:s7], $0x5FFFF  }
0xac: {  	[dreg:$0x1] =	wrdreg $0xFFFFFFFF  }
0xad: {  	[dreg:$0x0] =	wrdreg $0x60  }
0xae: {  	[dreg:$0x2] =	wrdreg s2  }
0xaf: {  	[dreg:$0x3] =	wrdreg s24  }
0xb0: {  	[dreg:$0x4] =	wrdreg $0x31000  }
0xb1: {  	[dreg:$0x5] =	wrdreg $0x9  }
0xb2: {  	_ =	task.clear_ibuf [dreg:s7], $0x6FFFF;
	_ =	strace $0x90000046  }
0xb3: {  	s29 =	simm.s32 $0x9;
	_ =	strace $0x80000048  }
0xb4: {  	_ =	swait.ge [sflag:s29], $0x1  }
0xb5: {  	[sflag:s29] =	ssyncadd.s32 $0xFFFFFFFF  }
0xb6: {  	_ =	strace $0x90000048  }
0xb7: {  	_ =	sfence  }
0xb8: {  	s30 =	sld [smem:$0x0];
	_ =	sdelay $0x2  }
0xb9: {  	s31 =	sshll.u32 s1, $0xD;
	s1 =	sshrl.u32 s1, $0x2  }
0xba: {  	s3 =	sand.u32 $0x4000, s31;
	s1 =	sadd.s32 s1, s30  }
0xbb: {  	s0 =	sor.u32 s3, s0;
	s1 =	sshll.u32 s1, $0x11  }
0xbc: {  	s0 =	sor.u32 s1, s0  }
0xbd: {  	s0 =	sadd.s32 $0x8F2B, s0  }
0xbe: {  	[sflag:s0] =	ssyncadd.remote.s32 $0x1  }
0xbf: {  	_ =	sfence.sel $0xFFFF  }
0xc0: {  	[dreg:$0x0] =	wrdreg $0xFFFFFFFF;
	(pc) =	sbr.abs _section_cstart, $3  }
0xc1: {  	[dreg:$0x1] =	wrdreg $0xFFFFFFFF  }
0xc2: {  	_ =	task.clear_ibuf [dreg:s7], $0x2FFFF;
	_ =	strace $0x9FFFFFFF  }
0xc3: {  	(tm) =	ssettm $0x7FFFFFFF  }
tec
execute0_lowered:
.L_overlay_start_1:
0x0: {  	(tag) =	ssettag $0x1  }
0x1: {  	s0 =	rddreg [dreg:$0x0]  }
0x2: {  	s1 =	srdreg.scid;
	s6 =	rddreg [dreg:$0x1]  }
0x3: {  	s12 =	stileid.u32;
	s2 =	rddreg [dreg:$0x2];
	s3 =	simm.s32 $0x0  }
0x4: {  	s17 =	simm.s32 $0x100;
	s18 =	simm.s32 $0x1;
	s7 =	smul.u32 $0x2760, s12  }
0x5: {  	s4 =	sand.u32 $0x1, s1;
	s1 =	rddreg [dreg:$0x3];
	s26 =	smul.u32 $0x2700, s12  }
0x6: {  	s19 =	simm.s32 $0x0;
	[smem:$0x7FF] =	sst s3;
	s8 =	smul.u32 $0x4E000, s12  }
0x7: {  	s10 =	sadd.s32 $0x3E600, s6;
	s31 =	sshll.u32 s12, $0x6;
	s5 =	smul.u32 $0x27600, s4  }
0x8: {  	s16 =	sadd.s32 $0x138000, s2;
	p0 =	sne.s32 s12, $0x0;
	s30 =	smul.u32 $0x138800, s4  }
0x9: {  	_ =	strace $0x80000047;
	s28 =	ssub.s32 $0x2, s4;
	s15 =	smul.u32 $0x27100, s4  }
0xa: {  	s9 =	sadd.s32 s26, s6;
	s13 =	sshrl.u32 s28, $0x1;
	s29 =	sshrl.u32 s8, $0x2  }
0xb: {  	s5 =	sadd.s32 s7, s5;
	s13 =	ssub.s32 s28, s13;
	s14 =	sadd.s32 s29, s2  }
0xc: {  	s4 =	sadd.s32 $0x17400, s9;
	s8 =	sshrl.u32 s30, $0x3;
	s7 =	sadd.s32 s26, s15  }
0xd: {  	s15 =	simm.s32 $0x80;
	s5 =	sshrl.u32 s5, $0x3;
	s8 =	sadd.s32 s10, s8  }
0xe: {  	s7 =	sadd.s32 s10, s7;
	s9 =	smax.u32 s13, $0x1;
	s12 =	sshrl.u32 s14, $0x3  }
0xf: {  	s13 =	simm.s32 $0x2;
	s14 =	sshrl.u32 @!p0 s16, $0x3;
	s16 =	simm.s32 $0x60  }
0x10: {  	s11 =	sadd.s32 s5, s6;
	s5 =	sor.u32 $0x1C02, s31;
	s6 =	sadd.s32 $0x3E400, s6  }
0x11: {  	s8 =	sadd.s32 $0x27000, s8;
	s10 =	sadd.s32 $0xD600, s11;
	s11 =	sadd.s32 $0x3800, s11  }
.LBB2_1:
0x12: {  	[spmem:s12], [sflag:s5] =	dma.local [hbm:s4], $0x2700  }
0x13: {  	_ =	swait.ge [sflag:s13], $0x2700  }
0x14: {  	[sflag:s13] =	ssyncset.done $0x0  }
0x15: {  	s20 =	simm.s32 @!p0 $0x2;
	[sflag:s13] =	ssyncadd.s32 $0xFFFFD900  }
0x16: {  	[spmem:s14], [sflag:s5] =	dma.local @!p0 [hbm:s6], $0x100  }
0x17: {  	_ =	swait.ge @!p0 [sflag:s20], $0x100  }
0x18: {  	[sflag:s20] =	ssyncset.done @!p0 $0x0  }
0x19: {  	[sflag:s20] =	ssyncadd.s32 @!p0 $0xFFFFFF00  }
0x1a: {  	s30 =	sadd.s32 $0x0, s11;
	[bflag:$0x0] =	sbarrier.arrive $0xFFFF  }
0x1b: {  	[tilespmem:s3], [sflag:$0x2] =	stream.linear.gather [hbm4b:s30+s3], $0x60, $0x38;
	[tilespmem:$0x169C0] =	vst v63  }
0x1c: {  	_ =	swait.ge [sflag:s13], $0x60  }
0x1d: {  	[sflag:s13] =	ssyncset.done $0x0  }
0x1e: {  	s31 =	sadd.s32 $0x0, s10;
	[sflag:s13] =	ssyncadd.s32 $0xFFFFFFA0  }
0x1f: {  	[tilespmem:s15], [sflag:$0x2] =	stream.linear.gather [hbm4b:s31+s3], $0x60, $0x38;
	[tilespmem:$0x169C0] =	vst v63  }
0x20: {  	_ =	swait.ge [sflag:s13], $0x60  }
0x21: {  	[sflag:s13] =	ssyncset.done $0x0  }
0x22: {  	[sflag:s13] =	ssyncadd.s32 $0xFFFFFFA0  }
0x23: {  	[tilespmem:s17], [sflag:$0x1] =	stream.indirect.gather [hbm4b:s0+s16], $0x80, s3, s16, $0xb8;
	[tilespmem:$0x169C0] =	vst v63  }
0x24: {  	_ =	swait.ge [sflag:s18], $0x3000  }
0x25: {  	[sflag:s18] =	ssyncset.done $0x0  }
0x26: {  	[sflag:s18] =	ssyncadd.s32 $0xFFFFD000  }
0x27: {  	[spmem:s2] =	stream.indirect.scatter.add.f32 [tilespmem:s17], [sflag:$0x2], $0x80, s15, s16, $0xb8;
	[tilespmem:$0x169C0] =	vst v63  }
0x28: {  	_ =	swait.ge [sflag:s13], $0x3000  }
0x29: {  	s21 =	simm.s32 $0x18;
	s20 =	simm.s32 $0xC;
	[sflag:s13] =	ssyncset.done $0x0  }
.LBB2_2:
0x2a: {  	s22 =	sadd.s32 s20, s11  }
0x2b: {  	[sflag:s13] =	ssyncadd.s32 $0xFFFFD000;
	s23 =	smov.u32 s21;
	s24 =	sadd.s32 $0xC, s21  }
0x2c: {  	[tilespmem:s3], [sflag:$0x2] =	stream.linear.gather [hbm4b:s22+s3], $0x60, $0x38;
	[tilespmem:$0x169C0] =	vst v63  }
0x2d: {  	p1 =	sne.s32 s21, $0x4E0;
	_ =	swait.ge [sflag:s13], $0x60  }
0x2e: {  	[sflag:s13] =	ssyncset.done $0x0  }
0x2f: {  	s21 =	sadd.s32 s20, s10;
	s20 =	smov.u32 s23;
	[sflag:s13] =	ssyncadd.s32 $0xFFFFFFA0  }
0x30: {  	[tilespmem:s15], [sflag:$0x2] =	stream.linear.gather [hbm4b:s21+s3], $0x60, $0x38;
	[tilespmem:$0x169C0] =	vst v63  }
0x31: {  	_ =	swait.ge [sflag:s13], $0x60  }
0x32: {  	[sflag:s13] =	ssyncset.done $0x0  }
0x33: {  	[sflag:s13] =	ssyncadd.s32 $0xFFFFFFA0  }
0x34: {  	[tilespmem:s17], [sflag:$0x1] =	stream.indirect.gather [hbm4b:s0+s16], $0x80, s3, s16, $0xb8;
	[tilespmem:$0x169C0] =	vst v63  }
0x35: {  	_ =	swait.ge [sflag:s18], $0x3000  }
.Ltmp0:
0x36: {  	[sflag:s18] =	ssyncset.done $0x0;
	(pc) =	sbr.rel @p1 .LBB2_2-.Ltmp0, $4  }
0x37: {  	[sflag:s18] =	ssyncadd.s32 $0xFFFFD000  }
0x38: {  	[spmem:s2] =	stream.indirect.scatter.add.f32 [tilespmem:s17], [sflag:$0x2], $0x80, s15, s16, $0xb8;
	[tilespmem:$0x169C0] =	vst v63  }
0x39: {  	_ =	swait.ge [sflag:s13], $0x3000  }
0x3a: {  	s21 =	smov.u32 s24;
	[sflag:s13] =	ssyncset.done $0x0  }
0x3b: {  	s21 =	sadd.s32 s20, s11;
	[sflag:s13] =	ssyncadd.s32 $0xFFFFD000  }
0x3c: {  	[tilespmem:s3], [sflag:$0x2] =	stream.linear.gather [hbm4b:s21+s3], $0x60, $0x38;
	[tilespmem:$0x169C0] =	vst v63  }
0x3d: {  	_ =	swait.ge [sflag:s13], $0x60  }
0x3e: {  	[sflag:s13] =	ssyncset.done $0x0  }
0x3f: {  	s31 =	sadd.s32 s20, s10;
	[sflag:s13] =	ssyncadd.s32 $0xFFFFFFA0  }
0x40: {  	[tilespmem:s15], [sflag:$0x2] =	stream.linear.gather [hbm4b:s31+s3], $0x60, $0x38;
	[tilespmem:$0x169C0] =	vst v63  }
0x41: {  	_ =	swait.ge [sflag:s13], $0x60  }
0x42: {  	[sflag:s13] =	ssyncset.done $0x0  }
0x43: {  	[sflag:s13] =	ssyncadd.s32 $0xFFFFFFA0  }
0x44: {  	[tilespmem:s17], [sflag:$0x1] =	stream.indirect.gather [hbm4b:s0+s16], $0x80, s3, s16, $0xb8;
	[tilespmem:$0x169C0] =	vst v63  }
0x45: {  	_ =	swait.ge [sflag:s18], $0x3000  }
0x46: {  	[sflag:s18] =	ssyncset.done $0x0  }
0x47: {  	[sflag:s18] =	ssyncadd.s32 $0xFFFFD000  }
0x48: {  	[spmem:s2] =	stream.indirect.scatter.add.f32 [tilespmem:s17], [sflag:$0x2], $0x80, s15, s16, $0xb8;
	[tilespmem:$0x169C0] =	vst v63  }
0x49: {  	_ =	swait.ge [sflag:s13], $0x3000  }
0x4a: {  	[sflag:s13] =	ssyncset.done $0x0  }
0x4b: {  	[sflag:s13] =	ssyncadd.s32 $0xFFFFD000  }
0x4c: {  	[bflag:$0x0] =	sbarrier.arrive $0xFFFF  }
0x4d: {  	[hbm:s7], [sflag:s5] =	dma.local [spmem:s12], $0x2700  }
0x4e: {  	s19 =	sadd.s32 $0x1, s19;
	_ =	swait.ge [sflag:s13], $0x2700  }
0x4f: {  	p1 =	sne.s32 s19, s9;
	[sflag:s13] =	ssyncset.done $0x0  }
.Ltmp1:
0x50: {  	s20 =	simm.s32 @!p0 $0x2;
	[sflag:s13] =	ssyncadd.s32 $0xFFFFD900;
	(pc) =	sbr.rel @p1 .LBB2_1-.Ltmp1, $4  }
0x51: {  	[hbm:s8], [sflag:s5] =	dma.local @!p0 [spmem:s14], $0x100  }
0x52: {  	_ =	swait.ge @!p0 [sflag:s20], $0x100  }
0x53: {  	[sflag:s20] =	ssyncset.done @!p0 $0x0  }
0x54: {  	[sflag:s20] =	ssyncadd.s32 @!p0 $0xFFFFFF00  }
0x55: {  	_ =	sfence.sel $0x180000  }
0x56: {  	[bflag:$0x0] =	sbarrier.arrive $0xFFFF  }
0x57: {  	_ =	strace $0x90000047  }
0x58: {  	s0 =	sadd.s32 @!p0 $0x100000, s1;
	[bflag:$0x2] =	sbarrier.arrive $0xFFFF  }
0x59: {  	[sflag:s0] =	ssyncadd.tile.s32 @!p0 $0x1;
	_ =	shalt  }
.Lfunc_end2:
_tile_overlayer_lowered:
.L_overlay_start_2:
0x5a: {  	(tag) =	ssettag $0x2  }
0x5b: {  	s0 =	rddreg [dreg:$0x0];
	s2 =	stileid.u32  }
0x5c: {  	s1 =	rddreg [dreg:$0x1];
	p0 =	sne.s32 s2, $0x0  }
0x5d: {  	s3 =	rddreg [dreg:$0x2];
	[bflag:$0x3] =	sbarrier.arrive $0xFFFF;
	s2 =	simm.s32 @!p0 $0x1C02  }
0x5e: {  	[timem:s3], [sflag:s2] =	dma.local @!p0 [hbm:s0], s1  }
0x5f: {  	s0 =	simm.s32 @!p0 $0x2  }
0x60: {  	_ =	swait.ge @!p0 [sflag:s0], s1  }
0x61: {  	s1 =	ssub.s32 @!p0 $0x0, s1;
	[sflag:s0] =	ssyncset.done @!p0 $0x0  }
0x62: {  	[sflag:s0] =	ssyncadd.s32 @!p0 s1  }
0x63: {  	[bflag:$0x3] =	sbarrier.arrive $0xFFFF  }
0x64: {  	_ =	shalt  }

</sc_bundles>
